<compile_context>
chip_gen: v7x
topology: tpu7x:2x2x1
jax: 0.10.2.dev20260603
libtpu: 0.0.44.dev20260713+nightly
codegen_flags: <defaults>
</compile_context>

<pallas_src>
import dataclasses
import functools

import jax
import jax.numpy as jnp
from jax import lax
from jax.experimental import pallas as pl
from jax.experimental.pallas import tpu as pltpu
from jax.experimental.pallas import tpu_sc as plsc

L = 16
D = 768
KCH = D // L
TBLK = 32
G = 16
TT = 2048

N_SC = 10240


def _sc_body(n_sc, off_blocks, x_hbm, w_hbm, bv_hbm, o_hbm, w_v, bv_v, sem):
    pltpu.async_copy(w_hbm, w_v, sem).wait()
    pltpu.async_copy(bv_hbm, bv_v, sem).wait()
    bvec = bv_v[...]

    def block_body(x_vmem, o_vmem):
        @pl.loop(0, TBLK, step=G)
        def _(t0):
            def kstep(k, accs):
                wk = w_v[pl.ds(k * L, L)]
                return tuple(
                    accs[j] + x_vmem[t0 + j, pl.ds(k * L, L)] * wk
                    for j in range(G)
                )

            accs = lax.fori_loop(0, KCH, kstep, (bvec,) * G)
            lane = lax.iota(jnp.int32, L)
            r = jnp.zeros((L,), jnp.float32)
            for j in range(G):
                r = jnp.where(lane == j, jnp.sum(accs[j]), r)
            o_vmem[pl.ds(t0, G)] = r

    pltpu.emit_pipeline(
        block_body,
        grid=(n_sc // TBLK,),
        in_specs=[pl.BlockSpec((TBLK, D), lambda i: (i + off_blocks, 0))],
        out_specs=[pl.BlockSpec((TBLK,), lambda i: (i,))],
        core_axis_name=("c", "s"),
        dimension_semantics=(pltpu.PARALLEL,),
    )(x_hbm, o_hbm)


def _tc_body(x_ref, w_ref, b_ref, o_ref):
    o_ref[...] = jnp.sum(x_ref[...] * w_ref[...], axis=1) + b_ref[0]


def kernel(x, W, b):
    B, S, d = x.shape
    ntok = B * S
    x2 = x.reshape(ntok, d)

    n_sc = N_SC if ntok > N_SC else 0
    n_tc = ntok - n_sc

    out_sc = None
    if n_sc:
        w = W.reshape(d)
        bv = jnp.concatenate(
            [b.astype(jnp.float32), jnp.zeros((L - 1,), jnp.float32)]
        )
        mesh = plsc.VectorSubcoreMesh(core_axis_name="c", subcore_axis_name="s")
        cp = pltpu.CompilerParams()
        if "needs_layout_passes" in pltpu.CompilerParams.__dataclass_fields__:
            cp = dataclasses.replace(cp, needs_layout_passes=False)
        sc_call = pl.kernel(
            functools.partial(_sc_body, n_sc, n_tc // TBLK),
            out_type=jax.ShapeDtypeStruct((n_sc,), jnp.float32),
            mesh=mesh,
            scratch_types=[
                pltpu.VMEM((D,), jnp.float32),
                pltpu.VMEM((L,), jnp.float32),
                pltpu.SemaphoreType.DMA,
            ],
            compiler_params=cp,
        )
        out_sc = sc_call(x2, w, bv)

    out_tc = pl.pallas_call(
        _tc_body,
        grid=(n_tc // TT,),
        in_specs=[
            pl.BlockSpec((TT, d), lambda i: (i, 0)),
            pl.BlockSpec((1, d), lambda i: (0, 0)),
            pl.BlockSpec(memory_space=pltpu.SMEM),
        ],
        out_specs=pl.BlockSpec((TT,), lambda i: (i,)),
        out_shape=jax.ShapeDtypeStruct((n_tc,), jnp.float32),
    )(x2, W, b)

    if out_sc is None:
        return out_tc.reshape(B, S)
    return jnp.concatenate([out_tc, out_sc]).reshape(B, S)

# --- scband reference (transcript-rebuilt; emitter-appended) ---
"""Pipeline reference for scband-token-router-27590869909542 (READ-ONLY COPY).

The authoritative reference and input builder live on the scoring server;
editing this copy changes nothing except your own understanding.
"""

import jax, jax.numpy as jnp
import numpy as np


def setup_inputs(seed: int = 0) -> dict:
    key = jax.random.key(seed)
    k_x, k_w, k_b = jax.random.split(key, 3)
    x = jax.random.normal(k_x, (4, 8192, 768), dtype=jnp.float32)
    # nn.Linear(embed_dim, 1): weight shape (1, embed_dim), bias shape (1,)
    bound = 1.0 / np.sqrt(768)
    W = jax.random.uniform(k_w, (1, 768), dtype=jnp.float32, minval=-bound, maxval=bound)
    b = jax.random.uniform(k_b, (1,), dtype=jnp.float32, minval=-bound, maxval=bound)
    return {"x": x, "W": W, "b": b}


def reference(x, W, b):
    # weights = self.weight_predictor(x).squeeze(-1)
    logits = jnp.einsum('bsd,od->bso', x, W) + b  # [B, S, 1]
    weights = jnp.squeeze(logits, axis=-1)        # [B, S]
    return weights

if __name__ == "__main__":
    import jax
    _d = setup_inputs()
    print(jax.jit(kernel)(*tuple(_d.values())))

</pallas_src>

<mosaic_0001>
#map = affine_map<(d0, d1) -> (0, 0)>
#map1 = affine_map<(d0, d1) -> (0)>
module attributes {stable_mosaic.version = 14 : i64} {
  func.func @_sc_body(%arg0: i32, %arg1: i32, %arg2: memref<32768x768xf32, #tpu.memory_space<hbm>>, %arg3: memref<768xf32, #tpu.memory_space<hbm>>, %arg4: memref<16xf32, #tpu.memory_space<hbm>>, %arg5: memref<10240xf32, #tpu.memory_space<hbm>>, %arg6: memref<768xf32, #tpu.memory_space<vmem>>, %arg7: memref<16xf32, #tpu.memory_space<vmem>>, %arg8: memref<!tpu.dma_semaphore, #tpu.memory_space<semaphore_mem>>) attributes {dimension_semantics = [#tpu.dimension_semantics<core_parallel>, #tpu.dimension_semantics<subcore_parallel>], iteration_bounds = array<i64: 2, 16>, scalar_prefetch = 0 : i64, scratch_operands = 3 : i64, tpu.core_type = #tpu.core_type<sc_vector_subcore>, window_params = [{transform_indices = #map}, {transform_indices = #map1}, {transform_indices = #map1}, {transform_indices = #map1}]} {
    tpu.enqueue_dma source(%arg3 : memref<768xf32, #tpu.memory_space<hbm>>) target(%arg6 : memref<768xf32, #tpu.memory_space<vmem>>) target_semaphore(%arg8 : memref<!tpu.dma_semaphore, #tpu.memory_space<semaphore_mem>>)
    tpu.wait_dma2 semaphore(%arg8 : memref<!tpu.dma_semaphore, #tpu.memory_space<semaphore_mem>>) src(%arg3 : memref<768xf32, #tpu.memory_space<hbm>>) dst(%arg6 : memref<768xf32, #tpu.memory_space<vmem>>)
    tpu.enqueue_dma source(%arg4 : memref<16xf32, #tpu.memory_space<hbm>>) target(%arg7 : memref<16xf32, #tpu.memory_space<vmem>>) target_semaphore(%arg8 : memref<!tpu.dma_semaphore, #tpu.memory_space<semaphore_mem>>)
    tpu.wait_dma2 semaphore(%arg8 : memref<!tpu.dma_semaphore, #tpu.memory_space<semaphore_mem>>) src(%arg4 : memref<16xf32, #tpu.memory_space<hbm>>) dst(%arg7 : memref<16xf32, #tpu.memory_space<vmem>>)
    %get3A = arith.constant 0 : index
    %get3A_0 = tpu.vector_load %arg7[%get3A] {strides = array<i32>} : memref<16xf32, #tpu.memory_space<vmem>>, vector<16xf32>,
    %mul3A = arith.constant 1 : i32
    %mul3A_1 = arith.muli %arg1, %mul3A : i32
    %add3A = arith.constant 0 : i32
    %add3A_2 = arith.addi %add3A, %mul3A_1 : i32
    %mul3A_3 = arith.constant 16 : i32
    %mul3A_4 = arith.muli %arg0, %mul3A_3 : i32
    %add3A_5 = arith.addi %add3A_2, %mul3A_4 : i32
    %mul3A_6 = arith.constant 10 : i32
    %mul3A_7 = arith.muli %add3A_5, %mul3A_6 : i32
    "tpu.region"() ({
      %run_scoped3A = memref.alloca() : memref<2x32x768xf32, #tpu.memory_space<vmem>>
      %run_scoped3A_8 = tpu.sem_alloc : memref<2x!tpu.dma_semaphore, #tpu.memory_space<semaphore_mem>>
      %run_scoped3A_9 = memref.alloca() : memref<64xf32, #tpu.memory_space<vmem>>
      %run_scoped3A_10 = tpu.sem_alloc : memref<2x!tpu.dma_semaphore, #tpu.memory_space<semaphore_mem>>
      %add3A_11 = arith.constant 0 : i32
      %add3A_12 = arith.addi %add3A_11, %mul3A_7 : i32
      %select_n3A = arith.constant true
      %select_n3A_13 = arith.constant 0 : i32
      %select_n3A_14 = arith.constant -1 : i32
      %select_n3A_15 = arith.select %select_n3A, %select_n3A_14, %select_n3A_13 : i32
      %eq3A = arith.constant -1 : i32
      %eq3A_16 = arith.cmpi eq, %select_n3A_15, %eq3A : i32
      %select_n3A_17 = arith.constant 9 : i32
      %select_n3A_18 = arith.select %eq3A_16, %select_n3A_17, %select_n3A_15 : i32
      %add3A_19 = arith.addi %select_n3A_18, %mul3A_7 : i32
      %select_n3A_20 = arith.constant true
      %select_n3A_21 = arith.constant 0 : i32
      %select_n3A_22 = arith.constant 1 : i32
      %select_n3A_23 = arith.select %select_n3A_20, %select_n3A_22, %select_n3A_21 : i32
      %eq3A_24 = arith.constant 10 : i32
      %eq3A_25 = arith.cmpi eq, %select_n3A_23, %eq3A_24 : i32
      %select_n3A_26 = arith.constant 0 : i32
      %select_n3A_27 = arith.select %eq3A_25, %select_n3A_26, %select_n3A_23 : i32
      %add3A_28 = arith.addi %select_n3A_27, %mul3A_7 : i32
      %add3A_29 = arith.constant 1 : i32
      %add3A_30 = arith.addi %select_n3A_27, %add3A_29 : i32
      %select_n3A_31 = arith.constant true
      %select_n3A_32 = arith.select %select_n3A_31, %add3A_30, %select_n3A_27 : i32
      %eq3A_33 = arith.constant 10 : i32
      %eq3A_34 = arith.cmpi eq, %select_n3A_32, %eq3A_33 : i32
      %select_n3A_35 = arith.constant 0 : i32
      %select_n3A_36 = arith.select %eq3A_34, %select_n3A_35, %select_n3A_32 : i32
      %add3A_37 = arith.addi %select_n3A_36, %mul3A_7 : i32
      "tpu.trace_start"() <{level = 10 : i32, message = "ep_initialize_0"}> : () -> ()
      %rem3A = arith.constant 0 : i32
      %rem3A_38 = arith.constant 2 : i32
      %rem3A_39 = arith.remui %rem3A, %rem3A_38 : i32
      %add3A_40 = arith.constant 704 : i32
      %add3A_41 = arith.addi %add3A_12, %add3A_40 : i32
      %mul3A_42 = arith.constant 32 : i32
      %mul3A_43 = arith.muli %mul3A_42, %add3A_41 : i32
      %dma_start3A = arith.constant 0 : i32
      %dma_start3A_44 = arith.constant 0 : i32
      %dma_start3A_45 = tpu.memref_slice %run_scoped3A[%rem3A_39, %dma_start3A, %dma_start3A_44] : memref<2x32x768xf32, #tpu.memory_space<vmem>> -> memref<1x32x768xf32, #tpu.memory_space<vmem>>
      %dma_start3A_46 = tpu.memref_squeeze %dma_start3A_45 : memref<1x32x768xf32, #tpu.memory_space<vmem>> -> memref<32x768xf32, #tpu.memory_space<vmem>>
      %dma_start3A_47 = arith.constant 0 : i32
      %dma_start3A_48 = tpu.memref_slice %arg2[%mul3A_43, %dma_start3A_47] : memref<32768x768xf32, #tpu.memory_space<hbm>> -> memref<32x768xf32, #tpu.memory_space<hbm>>
      %dma_start3A_49 = tpu.memref_slice %run_scoped3A_8[%rem3A_39] : memref<2x!tpu.dma_semaphore, #tpu.memory_space<semaphore_mem>> -> memref<1x!tpu.dma_semaphore, #tpu.memory_space<semaphore_mem>>
      %dma_start3A_50 = tpu.memref_squeeze %dma_start3A_49 : memref<1x!tpu.dma_semaphore, #tpu.memory_space<semaphore_mem>> -> memref<!tpu.dma_semaphore, #tpu.memory_space<semaphore_mem>>
      %dma_start3A_51 = arith.constant 0 : i32
      %dma_start3A_52 = arith.constant 0 : i32
      %dma_start3A_53 = tpu.memref_slice %run_scoped3A[%rem3A_39, %dma_start3A_51, %dma_start3A_52] : memref<2x32x768xf32, #tpu.memory_space<vmem>> -> memref<1x32x768xf32, #tpu.memory_space<vmem>>
      %dma_start3A_54 = tpu.memref_squeeze %dma_start3A_53 : memref<1x32x768xf32, #tpu.memory_space<vmem>> -> memref<32x768xf32, #tpu.memory_space<vmem>>
      %dma_start3A_55 = arith.constant 0 : i32
      %dma_start3A_56 = tpu.memref_slice %arg2[%mul3A_43, %dma_start3A_55] : memref<32768x768xf32, #tpu.memory_space<hbm>> -> memref<32x768xf32, #tpu.memory_space<hbm>>
      tpu.enqueue_dma source(%dma_start3A_56 : memref<32x768xf32, #tpu.memory_space<hbm>>) target(%dma_start3A_54 : memref<32x768xf32, #tpu.memory_space<vmem>>) target_semaphore(%dma_start3A_50 : memref<!tpu.dma_semaphore, #tpu.memory_space<semaphore_mem>>)
      %add3A_57 = arith.constant 0 : i32
      %add3A_58 = arith.constant 1 : i32
      %add3A_59 = arith.addi %add3A_57, %add3A_58 : i32
      %select_n3A_60 = arith.constant true
      %select_n3A_61 = arith.constant 0 : i32
      %select_n3A_62 = arith.select %select_n3A_60, %add3A_59, %select_n3A_61 : i32
      "tpu.trace_stop"() : () -> ()
      %scan3A = arith.constant 0 : i32
      %scan3A_63 = arith.constant 0 : i32
      %scan3A_64 = arith.constant 0 : i32
      %scan3A_65 = arith.constant 0 : i32
      %scan3A_66 = arith.constant 0 : i32
      %scan3A_67 = arith.constant 10 : i32
      %scan3A_68 = arith.addi %scan3A_66, %scan3A_67 : i32
      %scan3A_69 = arith.constant 1 : i32
      %scan3A_70:5 = scf.for %scan3A_120 = %scan3A_66 to %scan3A_68 step %scan3A_69 iter_args(%scan3A_121 = %select_n3A_62, %scan3A_122 = %scan3A, %scan3A_123 = %scan3A_63, %scan3A_124 = %scan3A_64, %scan3A_125 = %scan3A_65) -> (i32, i32, i32, i32, i32)  : i32 {
        %eq3A_126 = arith.constant 0 : i32
        %eq3A_127 = arith.cmpi eq, %scan3A_120, %eq3A_126 : i32
        %eq3A_128 = arith.constant 9 : i32
        %eq3A_129 = arith.cmpi eq, %scan3A_120, %eq3A_128 : i32
        %add3A_130 = arith.addi %scan3A_125, %mul3A_7 : i32
        %sub3A_131 = arith.constant 1 : i32
        %sub3A_132 = arith.subi %scan3A_125, %sub3A_131 : i32
        %select_n3A_133 = arith.constant true
        %select_n3A_134 = arith.select %select_n3A_133, %sub3A_132, %scan3A_125 : i32
        %eq3A_135 = arith.constant -1 : i32
        %eq3A_136 = arith.cmpi eq, %select_n3A_134, %eq3A_135 : i32
        %select_n3A_137 = arith.constant 9 : i32
        %select_n3A_138 = arith.select %eq3A_136, %select_n3A_137, %select_n3A_134 : i32
        %add3A_139 = arith.addi %select_n3A_138, %mul3A_7 : i32
        %add3A_140 = arith.constant 1 : i32
        %add3A_141 = arith.addi %scan3A_125, %add3A_140 : i32
        %select_n3A_142 = arith.constant true
        %select_n3A_143 = arith.select %select_n3A_142, %add3A_141, %scan3A_125 : i32
        %eq3A_144 = arith.constant 10 : i32
        %eq3A_145 = arith.cmpi eq, %select_n3A_143, %eq3A_144 : i32
        %select_n3A_146 = arith.constant 0 : i32
        %select_n3A_147 = arith.select %eq3A_145, %select_n3A_146, %select_n3A_143 : i32
        %add3A_148 = arith.addi %select_n3A_147, %mul3A_7 : i32
        %add3A_149 = arith.constant 1 : i32
        %add3A_150 = arith.addi %select_n3A_147, %add3A_149 : i32
        %select_n3A_151 = arith.constant true
        %select_n3A_152 = arith.select %select_n3A_151, %add3A_150, %select_n3A_147 : i32
        %eq3A_153 = arith.constant 10 : i32
        %eq3A_154 = arith.cmpi eq, %select_n3A_152, %eq3A_153 : i32
        %select_n3A_155 = arith.constant 0 : i32
        %select_n3A_156 = arith.select %eq3A_154, %select_n3A_155, %select_n3A_152 : i32
        %add3A_157 = arith.addi %select_n3A_156, %mul3A_7 : i32
        %add3A_158 = arith.constant 704 : i32
        %add3A_159 = arith.addi %add3A_130, %add3A_158 : i32
        %add3A_160 = arith.constant 704 : i32
        %add3A_161 = arith.addi %add3A_148, %add3A_160 : i32
        %ne3A = arith.cmpi ne, %add3A_159, %add3A_161 : i32
        %or3A = arith.constant false
        %or3A_162 = arith.ori %or3A, %ne3A : i1
        %or3A_163 = arith.constant false
        %or3A_164 = arith.ori %or3A_162, %or3A_163 : i1
        %ge3A = arith.constant 9 : i32
        %ge3A_165 = arith.cmpi sge, %scan3A_120, %ge3A : i32
        %not3A = arith.constant true
        %not3A_166 = arith.xori %ge3A_165, %not3A : i1
        %and3A = arith.andi %or3A_164, %not3A_166 : i1
        %convert_element_type3A = arith.extui %and3A : i1 to i32
        %cond3A = arith.constant 0 : i32
        %cond3A_167 = arith.cmpi ne, %convert_element_type3A, %cond3A : i32
        scf.if %cond3A_167 {
          "tpu.trace_start"() <{level = 10 : i32, message = "ep_copy_in"}> : () -> ()
          %rem3A_291 = arith.constant 2 : i32
          %rem3A_292 = arith.remui %scan3A_121, %rem3A_291 : i32
          %add3A_293 = arith.constant 704 : i32
          %add3A_294 = arith.addi %add3A_148, %add3A_293 : i32
          %mul3A_295 = arith.constant 32 : i32
          %mul3A_296 = arith.muli %mul3A_295, %add3A_294 : i32
          %dma_start3A_297 = arith.constant 0 : i32
          %dma_start3A_298 = arith.constant 0 : i32
          %dma_start3A_299 = tpu.memref_slice %run_scoped3A[%rem3A_292, %dma_start3A_297, %dma_start3A_298] : memref<2x32x768xf32, #tpu.memory_space<vmem>> -> memref<1x32x768xf32, #tpu.memory_space<vmem>>
          %dma_start3A_300 = tpu.memref_squeeze %dma_start3A_299 : memref<1x32x768xf32, #tpu.memory_space<vmem>> -> memref<32x768xf32, #tpu.memory_space<vmem>>
          %dma_start3A_301 = arith.constant 0 : i32
          %dma_start3A_302 = tpu.memref_slice %arg2[%mul3A_296, %dma_start3A_301] : memref<32768x768xf32, #tpu.memory_space<hbm>> -> memref<32x768xf32, #tpu.memory_space<hbm>>
          %dma_start3A_303 = tpu.memref_slice %run_scoped3A_8[%rem3A_292] : memref<2x!tpu.dma_semaphore, #tpu.memory_space<semaphore_mem>> -> memref<1x!tpu.dma_semaphore, #tpu.memory_space<semaphore_mem>>
          %dma_start3A_304 = tpu.memref_squeeze %dma_start3A_303 : memref<1x!tpu.dma_semaphore, #tpu.memory_space<semaphore_mem>> -> memref<!tpu.dma_semaphore, #tpu.memory_space<semaphore_mem>>
          %dma_start3A_305 = arith.constant 0 : i32
          %dma_start3A_306 = arith.constant 0 : i32
          %dma_start3A_307 = tpu.memref_slice %run_scoped3A[%rem3A_292, %dma_start3A_305, %dma_start3A_306] : memref<2x32x768xf32, #tpu.memory_space<vmem>> -> memref<1x32x768xf32, #tpu.memory_space<vmem>>
          %dma_start3A_308 = tpu.memref_squeeze %dma_start3A_307 : memref<1x32x768xf32, #tpu.memory_space<vmem>> -> memref<32x768xf32, #tpu.memory_space<vmem>>
          %dma_start3A_309 = arith.constant 0 : i32
          %dma_start3A_310 = tpu.memref_slice %arg2[%mul3A_296, %dma_start3A_309] : memref<32768x768xf32, #tpu.memory_space<hbm>> -> memref<32x768xf32, #tpu.memory_space<hbm>>
          tpu.enqueue_dma source(%dma_start3A_310 : memref<32x768xf32, #tpu.memory_space<hbm>>) target(%dma_start3A_308 : memref<32x768xf32, #tpu.memory_space<vmem>>) target_semaphore(%dma_start3A_304 : memref<!tpu.dma_semaphore, #tpu.memory_space<semaphore_mem>>)
          "tpu.trace_stop"() : () -> ()
        } else {
        }
        %and3A_168 = arith.constant true
        %and3A_169 = arith.andi %and3A, %and3A_168 : i1
        %add3A_170 = arith.constant 1 : i32
        %add3A_171 = arith.addi %scan3A_121, %add3A_170 : i32
        %select_n3A_172 = arith.select %and3A_169, %add3A_171, %scan3A_121 : i32
        %ne3A_173 = arith.cmpi ne, %add3A_130, %add3A_148 : i32
        %or3A_174 = arith.constant false
        %or3A_175 = arith.ori %or3A_174, %ne3A_173 : i1
        %ge3A_176 = arith.constant 9 : i32
        %ge3A_177 = arith.cmpi sge, %scan3A_120, %ge3A_176 : i32
        %not3A_178 = arith.constant true
        %not3A_179 = arith.xori %ge3A_177, %not3A_178 : i1
        %and3A_180 = arith.andi %or3A_175, %not3A_179 : i1
        %add3A_181 = arith.constant 704 : i32
        %add3A_182 = arith.addi %add3A_130, %add3A_181 : i32
        %add3A_183 = arith.constant 704 : i32
        %add3A_184 = arith.addi %add3A_139, %add3A_183 : i32
        %ne3A_185 = arith.cmpi ne, %add3A_182, %add3A_184 : i32
        %or3A_186 = arith.constant false
        %or3A_187 = arith.ori %or3A_186, %ne3A_185 : i1
        %or3A_188 = arith.constant false
        %or3A_189 = arith.ori %or3A_187, %or3A_188 : i1
        %or3A_190 = arith.ori %or3A_189, %eq3A_127 : i1
        %convert_element_type3A_191 = arith.extui %or3A_190 : i1 to i32
        %cond3A_192 = arith.constant 0 : i32
        %cond3A_193 = arith.cmpi ne, %convert_element_type3A_191, %cond3A_192 : i32
        scf.if %cond3A_193 {
          "tpu.trace_start"() <{level = 10 : i32, message = "ep_wait_in"}> : () -> ()
          %add3A_291 = arith.constant 704 : i32
          %add3A_292 = arith.addi %add3A_130, %add3A_291 : i32
          %mul3A_293 = arith.constant 32 : i32
          %mul3A_294 = arith.muli %mul3A_293, %add3A_292 : i32
          %rem3A_295 = arith.constant 2 : i32
          %rem3A_296 = arith.remui %scan3A_122, %rem3A_295 : i32
          %dma_wait3A_297 = arith.constant 0 : i32
          %dma_wait3A_298 = arith.constant 0 : i32
          %dma_wait3A_299 = tpu.memref_slice %run_scoped3A[%rem3A_296, %dma_wait3A_297, %dma_wait3A_298] : memref<2x32x768xf32, #tpu.memory_space<vmem>> -> memref<1x32x768xf32, #tpu.memory_space<vmem>>
          %dma_wait3A_300 = tpu.memref_squeeze %dma_wait3A_299 : memref<1x32x768xf32, #tpu.memory_space<vmem>> -> memref<32x768xf32, #tpu.memory_space<vmem>>
          %dma_wait3A_301 = arith.constant 0 : i32
          %dma_wait3A_302 = tpu.memref_slice %arg2[%mul3A_294, %dma_wait3A_301] : memref<32768x768xf32, #tpu.memory_space<hbm>> -> memref<32x768xf32, #tpu.memory_space<hbm>>
          %dma_wait3A_303 = tpu.memref_slice %run_scoped3A_8[%rem3A_296] : memref<2x!tpu.dma_semaphore, #tpu.memory_space<semaphore_mem>> -> memref<1x!tpu.dma_semaphore, #tpu.memory_space<semaphore_mem>>
          %dma_wait3A_304 = tpu.memref_squeeze %dma_wait3A_303 : memref<1x!tpu.dma_semaphore, #tpu.memory_space<semaphore_mem>> -> memref<!tpu.dma_semaphore, #tpu.memory_space<semaphore_mem>>
          %dma_wait3A_305 = arith.constant 0 : i32
          %dma_wait3A_306 = arith.constant 0 : i32
          %dma_wait3A_307 = tpu.memref_slice %run_scoped3A[%rem3A_296, %dma_wait3A_305, %dma_wait3A_306] : memref<2x32x768xf32, #tpu.memory_space<vmem>> -> memref<1x32x768xf32, #tpu.memory_space<vmem>>
          %dma_wait3A_308 = tpu.memref_squeeze %dma_wait3A_307 : memref<1x32x768xf32, #tpu.memory_space<vmem>> -> memref<32x768xf32, #tpu.memory_space<vmem>>
          %dma_wait3A_309 = arith.constant 0 : i32
          %dma_wait3A_310 = tpu.memref_slice %arg2[%mul3A_294, %dma_wait3A_309] : memref<32768x768xf32, #tpu.memory_space<hbm>> -> memref<32x768xf32, #tpu.memory_space<hbm>>
          tpu.wait_dma2 semaphore(%dma_wait3A_304 : memref<!tpu.dma_semaphore, #tpu.memory_space<semaphore_mem>>) src(%dma_wait3A_310 : memref<32x768xf32, #tpu.memory_space<hbm>>) dst(%dma_wait3A_308 : memref<32x768xf32, #tpu.memory_space<vmem>>)
          "tpu.trace_stop"() : () -> ()
        } else {
        }
        %ne3A_194 = arith.cmpi ne, %add3A_130, %add3A_139 : i32
        %or3A_195 = arith.constant false
        %or3A_196 = arith.ori %or3A_195, %ne3A_194 : i1
        %or3A_197 = arith.ori %or3A_196, %eq3A_127 : i1
        %convert_element_type3A_198 = arith.extui %or3A_197 : i1 to i32
        %cond3A_199 = arith.constant 0 : i32
        %cond3A_200 = arith.cmpi ne, %convert_element_type3A_198, %cond3A_199 : i32
        scf.if %cond3A_200 {
        } else {
        }
        %rem3A_201 = arith.constant 2 : i32
        %rem3A_202 = arith.remui %scan3A_122, %rem3A_201 : i32
        %rem3A_203 = arith.constant 2 : i32
        %rem3A_204 = arith.remui %scan3A_123, %rem3A_203 : i32
        %mul3A_205 = arith.constant 32 : i32
        %mul3A_206 = arith.muli %rem3A_204, %mul3A_205 : i32
        "tpu.trace_start"() <{level = 10 : i32, message = "ep_run_kernel"}> : () -> ()
        %scan3A_207 = arith.constant 0 : i32
        %scan3A_208 = arith.constant 2 : i32
        %scan3A_209 = arith.addi %scan3A_207, %scan3A_208 : i32
        %scan3A_210 = arith.constant 1 : i32
        scf.for %scan3A_291 = %scan3A_207 to %scan3A_209 step %scan3A_210  : i32 {
          %mul3A_292 = arith.constant 16 : i32
          %mul3A_293 = arith.muli %scan3A_291, %mul3A_292 : i32
          %add3A_294 = arith.constant 0 : i32
          %add3A_295 = arith.addi %add3A_294, %mul3A_293 : i32
          %scan3A_296 = arith.constant 0 : i32
          %scan3A_297 = arith.constant 48 : i32
          %scan3A_298 = arith.addi %scan3A_296, %scan3A_297 : i32
          %scan3A_299 = arith.constant 1 : i32
          %scan3A_300:16 = scf.for %scan3A_448 = %scan3A_296 to %scan3A_298 step %scan3A_299 iter_args(%scan3A_449 = %get3A_0, %scan3A_450 = %get3A_0, %scan3A_451 = %get3A_0, %scan3A_452 = %get3A_0, %scan3A_453 = %get3A_0, %scan3A_454 = %get3A_0, %scan3A_455 = %get3A_0, %scan3A_456 = %get3A_0, %scan3A_457 = %get3A_0, %scan3A_458 = %get3A_0, %scan3A_459 = %get3A_0, %scan3A_460 = %get3A_0, %scan3A_461 = %get3A_0, %scan3A_462 = %get3A_0, %scan3A_463 = %get3A_0, %scan3A_464 = %get3A_0) -> (vector<16xf32>, vector<16xf32>, vector<16xf32>, vector<16xf32>, vector<16xf32>, vector<16xf32>, vector<16xf32>, vector<16xf32>, vector<16xf32>, vector<16xf32>, vector<16xf32>, vector<16xf32>, vector<16xf32>, vector<16xf32>, vector<16xf32>, vector<16xf32>)  : i32 {
            %mul3A_465 = arith.constant 16 : i32
            %mul3A_466 = arith.muli %scan3A_448, %mul3A_465 : i32
            %get3A_467 = arith.index_cast %mul3A_466 : i32 to index
            %get3A_468 = tpu.vector_load %arg6[%get3A_467] {strides = array<i32>} : memref<768xf32, #tpu.memory_space<vmem>>, vector<16xf32>,
            %add3A_469 = arith.constant 0 : i32
            %add3A_470 = arith.addi %add3A_295, %add3A_469 : i32
            %mul3A_471 = arith.constant 16 : i32
            %mul3A_472 = arith.muli %scan3A_448, %mul3A_471 : i32
            %get3A_473 = arith.constant 0 : i32
            %get3A_474 = arith.constant 0 : i32
            %get3A_475 = tpu.memref_slice %run_scoped3A[%rem3A_202, %get3A_473, %get3A_474] : memref<2x32x768xf32, #tpu.memory_space<vmem>> -> memref<1x32x768xf32, #tpu.memory_space<vmem>>
            %get3A_476 = tpu.memref_squeeze %get3A_475 : memref<1x32x768xf32, #tpu.memory_space<vmem>> -> memref<32x768xf32, #tpu.memory_space<vmem>>
            %get3A_477 = arith.index_cast %add3A_470 : i32 to index
            %get3A_478 = arith.index_cast %mul3A_472 : i32 to index
            %get3A_479 = tpu.vector_load %get3A_476[%get3A_477, %get3A_478] {strides = array<i32>} : memref<32x768xf32, #tpu.memory_space<vmem>>, vector<16xf32>,
            %mul3A_480 = arith.mulf %get3A_479, %get3A_468 : vector<16xf32>
            %add3A_481 = arith.addf %scan3A_449, %mul3A_480 : vector<16xf32>
            %add3A_482 = arith.constant 1 : i32
            %add3A_483 = arith.addi %add3A_295, %add3A_482 : i32
            %mul3A_484 = arith.constant 16 : i32
            %mul3A_485 = arith.muli %scan3A_448, %mul3A_484 : i32
            %get3A_486 = arith.constant 0 : i32
            %get3A_487 = arith.constant 0 : i32
            %get3A_488 = tpu.memref_slice %run_scoped3A[%rem3A_202, %get3A_486, %get3A_487] : memref<2x32x768xf32, #tpu.memory_space<vmem>> -> memref<1x32x768xf32, #tpu.memory_space<vmem>>
            %get3A_489 = tpu.memref_squeeze %get3A_488 : memref<1x32x768xf32, #tpu.memory_space<vmem>> -> memref<32x768xf32, #tpu.memory_space<vmem>>
            %get3A_490 = arith.index_cast %add3A_483 : i32 to index
            %get3A_491 = arith.index_cast %mul3A_485 : i32 to index
            %get3A_492 = tpu.vector_load %get3A_489[%get3A_490, %get3A_491] {strides = array<i32>} : memref<32x768xf32, #tpu.memory_space<vmem>>, vector<16xf32>,
            %mul3A_493 = arith.mulf %get3A_492, %get3A_468 : vector<16xf32>
            %add3A_494 = arith.addf %scan3A_450, %mul3A_493 : vector<16xf32>
            %add3A_495 = arith.constant 2 : i32
            %add3A_496 = arith.addi %add3A_295, %add3A_495 : i32
            %mul3A_497 = arith.constant 16 : i32
            %mul3A_498 = arith.muli %scan3A_448, %mul3A_497 : i32
            %get3A_499 = arith.constant 0 : i32
            %get3A_500 = arith.constant 0 : i32
            %get3A_501 = tpu.memref_slice %run_scoped3A[%rem3A_202, %get3A_499, %get3A_500] : memref<2x32x768xf32, #tpu.memory_space<vmem>> -> memref<1x32x768xf32, #tpu.memory_space<vmem>>
            %get3A_502 = tpu.memref_squeeze %get3A_501 : memref<1x32x768xf32, #tpu.memory_space<vmem>> -> memref<32x768xf32, #tpu.memory_space<vmem>>
            %get3A_503 = arith.index_cast %add3A_496 : i32 to index
            %get3A_504 = arith.index_cast %mul3A_498 : i32 to index
            %get3A_505 = tpu.vector_load %get3A_502[%get3A_503, %get3A_504] {strides = array<i32>} : memref<32x768xf32, #tpu.memory_space<vmem>>, vector<16xf32>,
            %mul3A_506 = arith.mulf %get3A_505, %get3A_468 : vector<16xf32>
            %add3A_507 = arith.addf %scan3A_451, %mul3A_506 : vector<16xf32>
            %add3A_508 = arith.constant 3 : i32
            %add3A_509 = arith.addi %add3A_295, %add3A_508 : i32
            %mul3A_510 = arith.constant 16 : i32
            %mul3A_511 = arith.muli %scan3A_448, %mul3A_510 : i32
            %get3A_512 = arith.constant 0 : i32
            %get3A_513 = arith.constant 0 : i32
            %get3A_514 = tpu.memref_slice %run_scoped3A[%rem3A_202, %get3A_512, %get3A_513] : memref<2x32x768xf32, #tpu.memory_space<vmem>> -> memref<1x32x768xf32, #tpu.memory_space<vmem>>
            %get3A_515 = tpu.memref_squeeze %get3A_514 : memref<1x32x768xf32, #tpu.memory_space<vmem>> -> memref<32x768xf32, #tpu.memory_space<vmem>>
            %get3A_516 = arith.index_cast %add3A_509 : i32 to index
            %get3A_517 = arith.index_cast %mul3A_511 : i32 to index
            %get3A_518 = tpu.vector_load %get3A_515[%get3A_516, %get3A_517] {strides = array<i32>} : memref<32x768xf32, #tpu.memory_space<vmem>>, vector<16xf32>,
            %mul3A_519 = arith.mulf %get3A_518, %get3A_468 : vector<16xf32>
            %add3A_520 = arith.addf %scan3A_452, %mul3A_519 : vector<16xf32>
            %add3A_521 = arith.constant 4 : i32
            %add3A_522 = arith.addi %add3A_295, %add3A_521 : i32
            %mul3A_523 = arith.constant 16 : i32
            %mul3A_524 = arith.muli %scan3A_448, %mul3A_523 : i32
            %get3A_525 = arith.constant 0 : i32
            %get3A_526 = arith.constant 0 : i32
            %get3A_527 = tpu.memref_slice %run_scoped3A[%rem3A_202, %get3A_525, %get3A_526] : memref<2x32x768xf32, #tpu.memory_space<vmem>> -> memref<1x32x768xf32, #tpu.memory_space<vmem>>
            %get3A_528 = tpu.memref_squeeze %get3A_527 : memref<1x32x768xf32, #tpu.memory_space<vmem>> -> memref<32x768xf32, #tpu.memory_space<vmem>>
            %get3A_529 = arith.index_cast %add3A_522 : i32 to index
            %get3A_530 = arith.index_cast %mul3A_524 : i32 to index
            %get3A_531 = tpu.vector_load %get3A_528[%get3A_529, %get3A_530] {strides = array<i32>} : memref<32x768xf32, #tpu.memory_space<vmem>>, vector<16xf32>,
            %mul3A_532 = arith.mulf %get3A_531, %get3A_468 : vector<16xf32>
            %add3A_533 = arith.addf %scan3A_453, %mul3A_532 : vector<16xf32>
            %add3A_534 = arith.constant 5 : i32
            %add3A_535 = arith.addi %add3A_295, %add3A_534 : i32
            %mul3A_536 = arith.constant 16 : i32
            %mul3A_537 = arith.muli %scan3A_448, %mul3A_536 : i32
            %get3A_538 = arith.constant 0 : i32
            %get3A_539 = arith.constant 0 : i32
            %get3A_540 = tpu.memref_slice %run_scoped3A[%rem3A_202, %get3A_538, %get3A_539] : memref<2x32x768xf32, #tpu.memory_space<vmem>> -> memref<1x32x768xf32, #tpu.memory_space<vmem>>
            %get3A_541 = tpu.memref_squeeze %get3A_540 : memref<1x32x768xf32, #tpu.memory_space<vmem>> -> memref<32x768xf32, #tpu.memory_space<vmem>>
            %get3A_542 = arith.index_cast %add3A_535 : i32 to index
            %get3A_543 = arith.index_cast %mul3A_537 : i32 to index
            %get3A_544 = tpu.vector_load %get3A_541[%get3A_542, %get3A_543] {strides = array<i32>} : memref<32x768xf32, #tpu.memory_space<vmem>>, vector<16xf32>,
            %mul3A_545 = arith.mulf %get3A_544, %get3A_468 : vector<16xf32>
            %add3A_546 = arith.addf %scan3A_454, %mul3A_545 : vector<16xf32>
            %add3A_547 = arith.constant 6 : i32
            %add3A_548 = arith.addi %add3A_295, %add3A_547 : i32
            %mul3A_549 = arith.constant 16 : i32
            %mul3A_550 = arith.muli %scan3A_448, %mul3A_549 : i32
            %get3A_551 = arith.constant 0 : i32
            %get3A_552 = arith.constant 0 : i32
            %get3A_553 = tpu.memref_slice %run_scoped3A[%rem3A_202, %get3A_551, %get3A_552] : memref<2x32x768xf32, #tpu.memory_space<vmem>> -> memref<1x32x768xf32, #tpu.memory_space<vmem>>
            %get3A_554 = tpu.memref_squeeze %get3A_553 : memref<1x32x768xf32, #tpu.memory_space<vmem>> -> memref<32x768xf32, #tpu.memory_space<vmem>>
            %get3A_555 = arith.index_cast %add3A_548 : i32 to index
            %get3A_556 = arith.index_cast %mul3A_550 : i32 to index
            %get3A_557 = tpu.vector_load %get3A_554[%get3A_555, %get3A_556] {strides = array<i32>} : memref<32x768xf32, #tpu.memory_space<vmem>>, vector<16xf32>,
            %mul3A_558 = arith.mulf %get3A_557, %get3A_468 : vector<16xf32>
            %add3A_559 = arith.addf %scan3A_455, %mul3A_558 : vector<16xf32>
            %add3A_560 = arith.constant 7 : i32
            %add3A_561 = arith.addi %add3A_295, %add3A_560 : i32
            %mul3A_562 = arith.constant 16 : i32
            %mul3A_563 = arith.muli %scan3A_448, %mul3A_562 : i32
            %get3A_564 = arith.constant 0 : i32
            %get3A_565 = arith.constant 0 : i32
            %get3A_566 = tpu.memref_slice %run_scoped3A[%rem3A_202, %get3A_564, %get3A_565] : memref<2x32x768xf32, #tpu.memory_space<vmem>> -> memref<1x32x768xf32, #tpu.memory_space<vmem>>
            %get3A_567 = tpu.memref_squeeze %get3A_566 : memref<1x32x768xf32, #tpu.memory_space<vmem>> -> memref<32x768xf32, #tpu.memory_space<vmem>>
            %get3A_568 = arith.index_cast %add3A_561 : i32 to index
            %get3A_569 = arith.index_cast %mul3A_563 : i32 to index
            %get3A_570 = tpu.vector_load %get3A_567[%get3A_568, %get3A_569] {strides = array<i32>} : memref<32x768xf32, #tpu.memory_space<vmem>>, vector<16xf32>,
            %mul3A_571 = arith.mulf %get3A_570, %get3A_468 : vector<16xf32>
            %add3A_572 = arith.addf %scan3A_456, %mul3A_571 : vector<16xf32>
            %add3A_573 = arith.constant 8 : i32
            %add3A_574 = arith.addi %add3A_295, %add3A_573 : i32
            %mul3A_575 = arith.constant 16 : i32
            %mul3A_576 = arith.muli %scan3A_448, %mul3A_575 : i32
            %get3A_577 = arith.constant 0 : i32
            %get3A_578 = arith.constant 0 : i32
            %get3A_579 = tpu.memref_slice %run_scoped3A[%rem3A_202, %get3A_577, %get3A_578] : memref<2x32x768xf32, #tpu.memory_space<vmem>> -> memref<1x32x768xf32, #tpu.memory_space<vmem>>
            %get3A_580 = tpu.memref_squeeze %get3A_579 : memref<1x32x768xf32, #tpu.memory_space<vmem>> -> memref<32x768xf32, #tpu.memory_space<vmem>>
            %get3A_581 = arith.index_cast %add3A_574 : i32 to index
            %get3A_582 = arith.index_cast %mul3A_576 : i32 to index
            %get3A_583 = tpu.vector_load %get3A_580[%get3A_581, %get3A_582] {strides = array<i32>} : memref<32x768xf32, #tpu.memory_space<vmem>>, vector<16xf32>,
            %mul3A_584 = arith.mulf %get3A_583, %get3A_468 : vector<16xf32>
            %add3A_585 = arith.addf %scan3A_457, %mul3A_584 : vector<16xf32>
            %add3A_586 = arith.constant 9 : i32
            %add3A_587 = arith.addi %add3A_295, %add3A_586 : i32
            %mul3A_588 = arith.constant 16 : i32
            %mul3A_589 = arith.muli %scan3A_448, %mul3A_588 : i32
            %get3A_590 = arith.constant 0 : i32
            %get3A_591 = arith.constant 0 : i32
            %get3A_592 = tpu.memref_slice %run_scoped3A[%rem3A_202, %get3A_590, %get3A_591] : memref<2x32x768xf32, #tpu.memory_space<vmem>> -> memref<1x32x768xf32, #tpu.memory_space<vmem>>
            %get3A_593 = tpu.memref_squeeze %get3A_592 : memref<1x32x768xf32, #tpu.memory_space<vmem>> -> memref<32x768xf32, #tpu.memory_space<vmem>>
            %get3A_594 = arith.index_cast %add3A_587 : i32 to index
            %get3A_595 = arith.index_cast %mul3A_589 : i32 to index
            %get3A_596 = tpu.vector_load %get3A_593[%get3A_594, %get3A_595] {strides = array<i32>} : memref<32x768xf32, #tpu.memory_space<vmem>>, vector<16xf32>,
            %mul3A_597 = arith.mulf %get3A_596, %get3A_468 : vector<16xf32>
            %add3A_598 = arith.addf %scan3A_458, %mul3A_597 : vector<16xf32>
            %add3A_599 = arith.constant 10 : i32
            %add3A_600 = arith.addi %add3A_295, %add3A_599 : i32
            %mul3A_601 = arith.constant 16 : i32
            %mul3A_602 = arith.muli %scan3A_448, %mul3A_601 : i32
            %get3A_603 = arith.constant 0 : i32
            %get3A_604 = arith.constant 0 : i32
            %get3A_605 = tpu.memref_slice %run_scoped3A[%rem3A_202, %get3A_603, %get3A_604] : memref<2x32x768xf32, #tpu.memory_space<vmem>> -> memref<1x32x768xf32, #tpu.memory_space<vmem>>
            %get3A_606 = tpu.memref_squeeze %get3A_605 : memref<1x32x768xf32, #tpu.memory_space<vmem>> -> memref<32x768xf32, #tpu.memory_space<vmem>>
            %get3A_607 = arith.index_cast %add3A_600 : i32 to index
            %get3A_608 = arith.index_cast %mul3A_602 : i32 to index
            %get3A_609 = tpu.vector_load %get3A_606[%get3A_607, %get3A_608] {strides = array<i32>} : memref<32x768xf32, #tpu.memory_space<vmem>>, vector<16xf32>,
            %mul3A_610 = arith.mulf %get3A_609, %get3A_468 : vector<16xf32>
            %add3A_611 = arith.addf %scan3A_459, %mul3A_610 : vector<16xf32>
            %add3A_612 = arith.constant 11 : i32
            %add3A_613 = arith.addi %add3A_295, %add3A_612 : i32
            %mul3A_614 = arith.constant 16 : i32
            %mul3A_615 = arith.muli %scan3A_448, %mul3A_614 : i32
            %get3A_616 = arith.constant 0 : i32
            %get3A_617 = arith.constant 0 : i32
            %get3A_618 = tpu.memref_slice %run_scoped3A[%rem3A_202, %get3A_616, %get3A_617] : memref<2x32x768xf32, #tpu.memory_space<vmem>> -> memref<1x32x768xf32, #tpu.memory_space<vmem>>
            %get3A_619 = tpu.memref_squeeze %get3A_618 : memref<1x32x768xf32, #tpu.memory_space<vmem>> -> memref<32x768xf32, #tpu.memory_space<vmem>>
            %get3A_620 = arith.index_cast %add3A_613 : i32 to index
            %get3A_621 = arith.index_cast %mul3A_615 : i32 to index
            %get3A_622 = tpu.vector_load %get3A_619[%get3A_620, %get3A_621] {strides = array<i32>} : memref<32x768xf32, #tpu.memory_space<vmem>>, vector<16xf32>,
            %mul3A_623 = arith.mulf %get3A_622, %get3A_468 : vector<16xf32>
            %add3A_624 = arith.addf %scan3A_460, %mul3A_623 : vector<16xf32>
            %add3A_625 = arith.constant 12 : i32
            %add3A_626 = arith.addi %add3A_295, %add3A_625 : i32
            %mul3A_627 = arith.constant 16 : i32
            %mul3A_628 = arith.muli %scan3A_448, %mul3A_627 : i32
            %get3A_629 = arith.constant 0 : i32
            %get3A_630 = arith.constant 0 : i32
            %get3A_631 = tpu.memref_slice %run_scoped3A[%rem3A_202, %get3A_629, %get3A_630] : memref<2x32x768xf32, #tpu.memory_space<vmem>> -> memref<1x32x768xf32, #tpu.memory_space<vmem>>
            %get3A_632 = tpu.memref_squeeze %get3A_631 : memref<1x32x768xf32, #tpu.memory_space<vmem>> -> memref<32x768xf32, #tpu.memory_space<vmem>>
            %get3A_633 = arith.index_cast %add3A_626 : i32 to index
            %get3A_634 = arith.index_cast %mul3A_628 : i32 to index
            %get3A_635 = tpu.vector_load %get3A_632[%get3A_633, %get3A_634] {strides = array<i32>} : memref<32x768xf32, #tpu.memory_space<vmem>>, vector<16xf32>,
            %mul3A_636 = arith.mulf %get3A_635, %get3A_468 : vector<16xf32>
            %add3A_637 = arith.addf %scan3A_461, %mul3A_636 : vector<16xf32>
            %add3A_638 = arith.constant 13 : i32
            %add3A_639 = arith.addi %add3A_295, %add3A_638 : i32
            %mul3A_640 = arith.constant 16 : i32
            %mul3A_641 = arith.muli %scan3A_448, %mul3A_640 : i32
            %get3A_642 = arith.constant 0 : i32
            %get3A_643 = arith.constant 0 : i32
            %get3A_644 = tpu.memref_slice %run_scoped3A[%rem3A_202, %get3A_642, %get3A_643] : memref<2x32x768xf32, #tpu.memory_space<vmem>> -> memref<1x32x768xf32, #tpu.memory_space<vmem>>
            %get3A_645 = tpu.memref_squeeze %get3A_644 : memref<1x32x768xf32, #tpu.memory_space<vmem>> -> memref<32x768xf32, #tpu.memory_space<vmem>>
            %get3A_646 = arith.index_cast %add3A_639 : i32 to index
            %get3A_647 = arith.index_cast %mul3A_641 : i32 to index
            %get3A_648 = tpu.vector_load %get3A_645[%get3A_646, %get3A_647] {strides = array<i32>} : memref<32x768xf32, #tpu.memory_space<vmem>>, vector<16xf32>,
            %mul3A_649 = arith.mulf %get3A_648, %get3A_468 : vector<16xf32>
            %add3A_650 = arith.addf %scan3A_462, %mul3A_649 : vector<16xf32>
            %add3A_651 = arith.constant 14 : i32
            %add3A_652 = arith.addi %add3A_295, %add3A_651 : i32
            %mul3A_653 = arith.constant 16 : i32
            %mul3A_654 = arith.muli %scan3A_448, %mul3A_653 : i32
            %get3A_655 = arith.constant 0 : i32
            %get3A_656 = arith.constant 0 : i32
            %get3A_657 = tpu.memref_slice %run_scoped3A[%rem3A_202, %get3A_655, %get3A_656] : memref<2x32x768xf32, #tpu.memory_space<vmem>> -> memref<1x32x768xf32, #tpu.memory_space<vmem>>
            %get3A_658 = tpu.memref_squeeze %get3A_657 : memref<1x32x768xf32, #tpu.memory_space<vmem>> -> memref<32x768xf32, #tpu.memory_space<vmem>>
            %get3A_659 = arith.index_cast %add3A_652 : i32 to index
            %get3A_660 = arith.index_cast %mul3A_654 : i32 to index
            %get3A_661 = tpu.vector_load %get3A_658[%get3A_659, %get3A_660] {strides = array<i32>} : memref<32x768xf32, #tpu.memory_space<vmem>>, vector<16xf32>,
            %mul3A_662 = arith.mulf %get3A_661, %get3A_468 : vector<16xf32>
            %add3A_663 = arith.addf %scan3A_463, %mul3A_662 : vector<16xf32>
            %add3A_664 = arith.constant 15 : i32
            %add3A_665 = arith.addi %add3A_295, %add3A_664 : i32
            %mul3A_666 = arith.constant 16 : i32
            %mul3A_667 = arith.muli %scan3A_448, %mul3A_666 : i32
            %get3A_668 = arith.constant 0 : i32
            %get3A_669 = arith.constant 0 : i32
            %get3A_670 = tpu.memref_slice %run_scoped3A[%rem3A_202, %get3A_668, %get3A_669] : memref<2x32x768xf32, #tpu.memory_space<vmem>> -> memref<1x32x768xf32, #tpu.memory_space<vmem>>
            %get3A_671 = tpu.memref_squeeze %get3A_670 : memref<1x32x768xf32, #tpu.memory_space<vmem>> -> memref<32x768xf32, #tpu.memory_space<vmem>>
            %get3A_672 = arith.index_cast %add3A_665 : i32 to index
            %get3A_673 = arith.index_cast %mul3A_667 : i32 to index
            %get3A_674 = tpu.vector_load %get3A_671[%get3A_672, %get3A_673] {strides = array<i32>} : memref<32x768xf32, #tpu.memory_space<vmem>>, vector<16xf32>,
            %mul3A_675 = arith.mulf %get3A_674, %get3A_468 : vector<16xf32>
            %add3A_676 = arith.addf %scan3A_464, %mul3A_675 : vector<16xf32>
            scf.yield %add3A_481, %add3A_494, %add3A_507, %add3A_520, %add3A_533, %add3A_546, %add3A_559, %add3A_572, %add3A_585, %add3A_598, %add3A_611, %add3A_624, %add3A_637, %add3A_650, %add3A_663, %add3A_676 : vector<16xf32>, vector<16xf32>, vector<16xf32>, vector<16xf32>, vector<16xf32>, vector<16xf32>, vector<16xf32>, vector<16xf32>, vector<16xf32>, vector<16xf32>, vector<16xf32>, vector<16xf32>, vector<16xf32>, vector<16xf32>, vector<16xf32>, vector<16xf32>
          }
          %scan3A_301 = arith.constant 48 : i32
          %iota3A = tpu.iota {dimensions = array<i32: 0>} : vector<16xi32>
          %broadcast_in_dim3A = arith.constant 0.000000e+00 : f32
          %broadcast_in_dim3A_302 = vector.broadcast %broadcast_in_dim3A : f32 to vector<16xf32>
          %eq3A_303 = arith.constant 0 : i32
          %eq3A_304 = vector.broadcast %eq3A_303 : i32 to vector<16xi32>
          %eq3A_305 = arith.cmpi eq, %iota3A, %eq3A_304 : vector<16xi32>
          %reduce_sum3A = arith.constant true
          %reduce_sum3A_306 = vector.broadcast %reduce_sum3A : i1 to vector<16xi1>
          %reduce_sum3A_307 = tpu.scan <sum>, %scan3A_300#0 masked %reduce_sum3A_306 : vector<16xf32>, vector<16xi1> -> vector<16xf32>
          %reduce_sum3A_308 = vector.extract %reduce_sum3A_307[15] : f32 from vector<16xf32>
          %broadcast_in_dim3A_309 = vector.broadcast %reduce_sum3A_308 : f32 to vector<16xf32>
          %select_n3A_310 = arith.select %eq3A_305, %broadcast_in_dim3A_309, %broadcast_in_dim3A_302 : vector<16xi1>, vector<16xf32>
          %eq3A_311 = arith.constant 1 : i32
          %eq3A_312 = vector.broadcast %eq3A_311 : i32 to vector<16xi32>
          %eq3A_313 = arith.cmpi eq, %iota3A, %eq3A_312 : vector<16xi32>
          %reduce_sum3A_314 = arith.constant true
          %reduce_sum3A_315 = vector.broadcast %reduce_sum3A_314 : i1 to vector<16xi1>
          %reduce_sum3A_316 = tpu.scan <sum>, %scan3A_300#1 masked %reduce_sum3A_315 : vector<16xf32>, vector<16xi1> -> vector<16xf32>
          %reduce_sum3A_317 = vector.extract %reduce_sum3A_316[15] : f32 from vector<16xf32>
          %broadcast_in_dim3A_318 = vector.broadcast %reduce_sum3A_317 : f32 to vector<16xf32>
          %select_n3A_319 = arith.select %eq3A_313, %broadcast_in_dim3A_318, %select_n3A_310 : vector<16xi1>, vector<16xf32>
          %eq3A_320 = arith.constant 2 : i32
          %eq3A_321 = vector.broadcast %eq3A_320 : i32 to vector<16xi32>
          %eq3A_322 = arith.cmpi eq, %iota3A, %eq3A_321 : vector<16xi32>
          %reduce_sum3A_323 = arith.constant true
          %reduce_sum3A_324 = vector.broadcast %reduce_sum3A_323 : i1 to vector<16xi1>
          %reduce_sum3A_325 = tpu.scan <sum>, %scan3A_300#2 masked %reduce_sum3A_324 : vector<16xf32>, vector<16xi1> -> vector<16xf32>
          %reduce_sum3A_326 = vector.extract %reduce_sum3A_325[15] : f32 from vector<16xf32>
          %broadcast_in_dim3A_327 = vector.broadcast %reduce_sum3A_326 : f32 to vector<16xf32>
          %select_n3A_328 = arith.select %eq3A_322, %broadcast_in_dim3A_327, %select_n3A_319 : vector<16xi1>, vector<16xf32>
          %eq3A_329 = arith.constant 3 : i32
          %eq3A_330 = vector.broadcast %eq3A_329 : i32 to vector<16xi32>
          %eq3A_331 = arith.cmpi eq, %iota3A, %eq3A_330 : vector<16xi32>
          %reduce_sum3A_332 = arith.constant true
          %reduce_sum3A_333 = vector.broadcast %reduce_sum3A_332 : i1 to vector<16xi1>
          %reduce_sum3A_334 = tpu.scan <sum>, %scan3A_300#3 masked %reduce_sum3A_333 : vector<16xf32>, vector<16xi1> -> vector<16xf32>
          %reduce_sum3A_335 = vector.extract %reduce_sum3A_334[15] : f32 from vector<16xf32>
          %broadcast_in_dim3A_336 = vector.broadcast %reduce_sum3A_335 : f32 to vector<16xf32>
          %select_n3A_337 = arith.select %eq3A_331, %broadcast_in_dim3A_336, %select_n3A_328 : vector<16xi1>, vector<16xf32>
          %eq3A_338 = arith.constant 4 : i32
          %eq3A_339 = vector.broadcast %eq3A_338 : i32 to vector<16xi32>
          %eq3A_340 = arith.cmpi eq, %iota3A, %eq3A_339 : vector<16xi32>
          %reduce_sum3A_341 = arith.constant true
          %reduce_sum3A_342 = vector.broadcast %reduce_sum3A_341 : i1 to vector<16xi1>
          %reduce_sum3A_343 = tpu.scan <sum>, %scan3A_300#4 masked %reduce_sum3A_342 : vector<16xf32>, vector<16xi1> -> vector<16xf32>
          %reduce_sum3A_344 = vector.extract %reduce_sum3A_343[15] : f32 from vector<16xf32>
          %broadcast_in_dim3A_345 = vector.broadcast %reduce_sum3A_344 : f32 to vector<16xf32>
          %select_n3A_346 = arith.select %eq3A_340, %broadcast_in_dim3A_345, %select_n3A_337 : vector<16xi1>, vector<16xf32>
          %eq3A_347 = arith.constant 5 : i32
          %eq3A_348 = vector.broadcast %eq3A_347 : i32 to vector<16xi32>
          %eq3A_349 = arith.cmpi eq, %iota3A, %eq3A_348 : vector<16xi32>
          %reduce_sum3A_350 = arith.constant true
          %reduce_sum3A_351 = vector.broadcast %reduce_sum3A_350 : i1 to vector<16xi1>
          %reduce_sum3A_352 = tpu.scan <sum>, %scan3A_300#5 masked %reduce_sum3A_351 : vector<16xf32>, vector<16xi1> -> vector<16xf32>
          %reduce_sum3A_353 = vector.extract %reduce_sum3A_352[15] : f32 from vector<16xf32>
          %broadcast_in_dim3A_354 = vector.broadcast %reduce_sum3A_353 : f32 to vector<16xf32>
          %select_n3A_355 = arith.select %eq3A_349, %broadcast_in_dim3A_354, %select_n3A_346 : vector<16xi1>, vector<16xf32>
          %eq3A_356 = arith.constant 6 : i32
          %eq3A_357 = vector.broadcast %eq3A_356 : i32 to vector<16xi32>
          %eq3A_358 = arith.cmpi eq, %iota3A, %eq3A_357 : vector<16xi32>
          %reduce_sum3A_359 = arith.constant true
          %reduce_sum3A_360 = vector.broadcast %reduce_sum3A_359 : i1 to vector<16xi1>
          %reduce_sum3A_361 = tpu.scan <sum>, %scan3A_300#6 masked %reduce_sum3A_360 : vector<16xf32>, vector<16xi1> -> vector<16xf32>
          %reduce_sum3A_362 = vector.extract %reduce_sum3A_361[15] : f32 from vector<16xf32>
          %broadcast_in_dim3A_363 = vector.broadcast %reduce_sum3A_362 : f32 to vector<16xf32>
          %select_n3A_364 = arith.select %eq3A_358, %broadcast_in_dim3A_363, %select_n3A_355 : vector<16xi1>, vector<16xf32>
          %eq3A_365 = arith.constant 7 : i32
          %eq3A_366 = vector.broadcast %eq3A_365 : i32 to vector<16xi32>
          %eq3A_367 = arith.cmpi eq, %iota3A, %eq3A_366 : vector<16xi32>
          %reduce_sum3A_368 = arith.constant true
          %reduce_sum3A_369 = vector.broadcast %reduce_sum3A_368 : i1 to vector<16xi1>
          %reduce_sum3A_370 = tpu.scan <sum>, %scan3A_300#7 masked %reduce_sum3A_369 : vector<16xf32>, vector<16xi1> -> vector<16xf32>
          %reduce_sum3A_371 = vector.extract %reduce_sum3A_370[15] : f32 from vector<16xf32>
          %broadcast_in_dim3A_372 = vector.broadcast %reduce_sum3A_371 : f32 to vector<16xf32>
          %select_n3A_373 = arith.select %eq3A_367, %broadcast_in_dim3A_372, %select_n3A_364 : vector<16xi1>, vector<16xf32>
          %eq3A_374 = arith.constant 8 : i32
          %eq3A_375 = vector.broadcast %eq3A_374 : i32 to vector<16xi32>
          %eq3A_376 = arith.cmpi eq, %iota3A, %eq3A_375 : vector<16xi32>
          %reduce_sum3A_377 = arith.constant true
          %reduce_sum3A_378 = vector.broadcast %reduce_sum3A_377 : i1 to vector<16xi1>
          %reduce_sum3A_379 = tpu.scan <sum>, %scan3A_300#8 masked %reduce_sum3A_378 : vector<16xf32>, vector<16xi1> -> vector<16xf32>
          %reduce_sum3A_380 = vector.extract %reduce_sum3A_379[15] : f32 from vector<16xf32>
          %broadcast_in_dim3A_381 = vector.broadcast %reduce_sum3A_380 : f32 to vector<16xf32>
          %select_n3A_382 = arith.select %eq3A_376, %broadcast_in_dim3A_381, %select_n3A_373 : vector<16xi1>, vector<16xf32>
          %eq3A_383 = arith.constant 9 : i32
          %eq3A_384 = vector.broadcast %eq3A_383 : i32 to vector<16xi32>
          %eq3A_385 = arith.cmpi eq, %iota3A, %eq3A_384 : vector<16xi32>
          %reduce_sum3A_386 = arith.constant true
          %reduce_sum3A_387 = vector.broadcast %reduce_sum3A_386 : i1 to vector<16xi1>
          %reduce_sum3A_388 = tpu.scan <sum>, %scan3A_300#9 masked %reduce_sum3A_387 : vector<16xf32>, vector<16xi1> -> vector<16xf32>
          %reduce_sum3A_389 = vector.extract %reduce_sum3A_388[15] : f32 from vector<16xf32>
          %broadcast_in_dim3A_390 = vector.broadcast %reduce_sum3A_389 : f32 to vector<16xf32>
          %select_n3A_391 = arith.select %eq3A_385, %broadcast_in_dim3A_390, %select_n3A_382 : vector<16xi1>, vector<16xf32>
          %eq3A_392 = arith.constant 10 : i32
          %eq3A_393 = vector.broadcast %eq3A_392 : i32 to vector<16xi32>
          %eq3A_394 = arith.cmpi eq, %iota3A, %eq3A_393 : vector<16xi32>
          %reduce_sum3A_395 = arith.constant true
          %reduce_sum3A_396 = vector.broadcast %reduce_sum3A_395 : i1 to vector<16xi1>
          %reduce_sum3A_397 = tpu.scan <sum>, %scan3A_300#10 masked %reduce_sum3A_396 : vector<16xf32>, vector<16xi1> -> vector<16xf32>
          %reduce_sum3A_398 = vector.extract %reduce_sum3A_397[15] : f32 from vector<16xf32>
          %broadcast_in_dim3A_399 = vector.broadcast %reduce_sum3A_398 : f32 to vector<16xf32>
          %select_n3A_400 = arith.select %eq3A_394, %broadcast_in_dim3A_399, %select_n3A_391 : vector<16xi1>, vector<16xf32>
          %eq3A_401 = arith.constant 11 : i32
          %eq3A_402 = vector.broadcast %eq3A_401 : i32 to vector<16xi32>
          %eq3A_403 = arith.cmpi eq, %iota3A, %eq3A_402 : vector<16xi32>
          %reduce_sum3A_404 = arith.constant true
          %reduce_sum3A_405 = vector.broadcast %reduce_sum3A_404 : i1 to vector<16xi1>
          %reduce_sum3A_406 = tpu.scan <sum>, %scan3A_300#11 masked %reduce_sum3A_405 : vector<16xf32>, vector<16xi1> -> vector<16xf32>
          %reduce_sum3A_407 = vector.extract %reduce_sum3A_406[15] : f32 from vector<16xf32>
          %broadcast_in_dim3A_408 = vector.broadcast %reduce_sum3A_407 : f32 to vector<16xf32>
          %select_n3A_409 = arith.select %eq3A_403, %broadcast_in_dim3A_408, %select_n3A_400 : vector<16xi1>, vector<16xf32>
          %eq3A_410 = arith.constant 12 : i32
          %eq3A_411 = vector.broadcast %eq3A_410 : i32 to vector<16xi32>
          %eq3A_412 = arith.cmpi eq, %iota3A, %eq3A_411 : vector<16xi32>
          %reduce_sum3A_413 = arith.constant true
          %reduce_sum3A_414 = vector.broadcast %reduce_sum3A_413 : i1 to vector<16xi1>
          %reduce_sum3A_415 = tpu.scan <sum>, %scan3A_300#12 masked %reduce_sum3A_414 : vector<16xf32>, vector<16xi1> -> vector<16xf32>
          %reduce_sum3A_416 = vector.extract %reduce_sum3A_415[15] : f32 from vector<16xf32>
          %broadcast_in_dim3A_417 = vector.broadcast %reduce_sum3A_416 : f32 to vector<16xf32>
          %select_n3A_418 = arith.select %eq3A_412, %broadcast_in_dim3A_417, %select_n3A_409 : vector<16xi1>, vector<16xf32>
          %eq3A_419 = arith.constant 13 : i32
          %eq3A_420 = vector.broadcast %eq3A_419 : i32 to vector<16xi32>
          %eq3A_421 = arith.cmpi eq, %iota3A, %eq3A_420 : vector<16xi32>
          %reduce_sum3A_422 = arith.constant true
          %reduce_sum3A_423 = vector.broadcast %reduce_sum3A_422 : i1 to vector<16xi1>
          %reduce_sum3A_424 = tpu.scan <sum>, %scan3A_300#13 masked %reduce_sum3A_423 : vector<16xf32>, vector<16xi1> -> vector<16xf32>
          %reduce_sum3A_425 = vector.extract %reduce_sum3A_424[15] : f32 from vector<16xf32>
          %broadcast_in_dim3A_426 = vector.broadcast %reduce_sum3A_425 : f32 to vector<16xf32>
          %select_n3A_427 = arith.select %eq3A_421, %broadcast_in_dim3A_426, %select_n3A_418 : vector<16xi1>, vector<16xf32>
          %eq3A_428 = arith.constant 14 : i32
          %eq3A_429 = vector.broadcast %eq3A_428 : i32 to vector<16xi32>
          %eq3A_430 = arith.cmpi eq, %iota3A, %eq3A_429 : vector<16xi32>
          %reduce_sum3A_431 = arith.constant true
          %reduce_sum3A_432 = vector.broadcast %reduce_sum3A_431 : i1 to vector<16xi1>
          %reduce_sum3A_433 = tpu.scan <sum>, %scan3A_300#14 masked %reduce_sum3A_432 : vector<16xf32>, vector<16xi1> -> vector<16xf32>
          %reduce_sum3A_434 = vector.extract %reduce_sum3A_433[15] : f32 from vector<16xf32>
          %broadcast_in_dim3A_435 = vector.broadcast %reduce_sum3A_434 : f32 to vector<16xf32>
          %select_n3A_436 = arith.select %eq3A_430, %broadcast_in_dim3A_435, %select_n3A_427 : vector<16xi1>, vector<16xf32>
          %eq3A_437 = arith.constant 15 : i32
          %eq3A_438 = vector.broadcast %eq3A_437 : i32 to vector<16xi32>
          %eq3A_439 = arith.cmpi eq, %iota3A, %eq3A_438 : vector<16xi32>
          %reduce_sum3A_440 = arith.constant true
          %reduce_sum3A_441 = vector.broadcast %reduce_sum3A_440 : i1 to vector<16xi1>
          %reduce_sum3A_442 = tpu.scan <sum>, %scan3A_300#15 masked %reduce_sum3A_441 : vector<16xf32>, vector<16xi1> -> vector<16xf32>
          %reduce_sum3A_443 = vector.extract %reduce_sum3A_442[15] : f32 from vector<16xf32>
          %broadcast_in_dim3A_444 = vector.broadcast %reduce_sum3A_443 : f32 to vector<16xf32>
          %select_n3A_445 = arith.select %eq3A_439, %broadcast_in_dim3A_444, %select_n3A_436 : vector<16xi1>, vector<16xf32>
          %swap3A = tpu.memref_slice %run_scoped3A_9[%mul3A_206] : memref<64xf32, #tpu.memory_space<vmem>> -> memref<32xf32, #tpu.memory_space<vmem>>
          %swap3A_446 = arith.index_cast %add3A_295 : i32 to index
          %swap3A_447 = tpu.vector_load %swap3A[%swap3A_446] {strides = array<i32>} : memref<32xf32, #tpu.memory_space<vmem>>, vector<16xf32>,
          tpu.vector_store %swap3A[%swap3A_446], %select_n3A_445 {strides = array<i32>} : memref<32xf32, #tpu.memory_space<vmem>>, vector<16xf32>,
        }
        %scan3A_211 = arith.constant 2 : i32
        "tpu.trace_stop"() : () -> ()
        %add3A_212 = arith.constant 704 : i32
        %add3A_213 = arith.addi %add3A_130, %add3A_212 : i32
        %add3A_214 = arith.constant 704 : i32
        %add3A_215 = arith.addi %add3A_148, %add3A_214 : i32
        %ne3A_216 = arith.cmpi ne, %add3A_213, %add3A_215 : i32
        %or3A_217 = arith.constant false
        %or3A_218 = arith.ori %or3A_217, %ne3A_216 : i1
        %or3A_219 = arith.constant false
        %or3A_220 = arith.ori %or3A_218, %or3A_219 : i1
        %or3A_221 = arith.ori %or3A_220, %eq3A_129 : i1
        %convert_element_type3A_222 = arith.extui %or3A_221 : i1 to i32
        %cond3A_223 = arith.constant 0 : i32
        %cond3A_224 = arith.cmpi ne, %convert_element_type3A_222, %cond3A_223 : i32
        scf.if %cond3A_224 {
        } else {
        }
        %and3A_225 = arith.constant false
        %and3A_226 = arith.andi %or3A_221, %and3A_225 : i1
        %ne3A_227 = arith.cmpi ne, %add3A_130, %add3A_148 : i32
        %or3A_228 = arith.constant false
        %or3A_229 = arith.ori %or3A_228, %ne3A_227 : i1
        %or3A_230 = arith.ori %or3A_229, %eq3A_129 : i1
        %convert_element_type3A_231 = arith.extui %or3A_230 : i1 to i32
        %cond3A_232 = arith.constant 0 : i32
        %cond3A_233 = arith.cmpi ne, %convert_element_type3A_231, %cond3A_232 : i32
        scf.if %cond3A_233 {
          "tpu.trace_start"() <{level = 10 : i32, message = "ep_copy_out"}> : () -> ()
          %rem3A_291 = arith.constant 2 : i32
          %rem3A_292 = arith.remui %scan3A_123, %rem3A_291 : i32
          %mul3A_293 = arith.constant 32 : i32
          %mul3A_294 = arith.muli %mul3A_293, %add3A_130 : i32
          %mul3A_295 = arith.constant 32 : i32
          %mul3A_296 = arith.muli %rem3A_292, %mul3A_295 : i32
          %add3A_297 = arith.constant 0 : i32
          %add3A_298 = arith.addi %mul3A_296, %add3A_297 : i32
          %dma_start3A_299 = tpu.memref_slice %run_scoped3A_9[%add3A_298] : memref<64xf32, #tpu.memory_space<vmem>> -> memref<32xf32, #tpu.memory_space<vmem>>
          %dma_start3A_300 = tpu.memref_slice %arg5[%mul3A_294] : memref<10240xf32, #tpu.memory_space<hbm>> -> memref<32xf32, #tpu.memory_space<hbm>>
          %dma_start3A_301 = tpu.memref_slice %run_scoped3A_10[%rem3A_292] : memref<2x!tpu.dma_semaphore, #tpu.memory_space<semaphore_mem>> -> memref<1x!tpu.dma_semaphore, #tpu.memory_space<semaphore_mem>>
          %dma_start3A_302 = tpu.memref_squeeze %dma_start3A_301 : memref<1x!tpu.dma_semaphore, #tpu.memory_space<semaphore_mem>> -> memref<!tpu.dma_semaphore, #tpu.memory_space<semaphore_mem>>
          %dma_start3A_303 = tpu.memref_slice %arg5[%mul3A_294] : memref<10240xf32, #tpu.memory_space<hbm>> -> memref<32xf32, #tpu.memory_space<hbm>>
          %dma_start3A_304 = tpu.memref_slice %run_scoped3A_9[%add3A_298] : memref<64xf32, #tpu.memory_space<vmem>> -> memref<32xf32, #tpu.memory_space<vmem>>
          tpu.enqueue_dma source(%dma_start3A_304 : memref<32xf32, #tpu.memory_space<vmem>>) target(%dma_start3A_303 : memref<32xf32, #tpu.memory_space<hbm>>) target_semaphore(%dma_start3A_302 : memref<!tpu.dma_semaphore, #tpu.memory_space<semaphore_mem>>)
          "tpu.trace_stop"() : () -> ()
        } else {
        }
        %and3A_234 = arith.constant true
        %and3A_235 = arith.andi %or3A_230, %and3A_234 : i1
        %add3A_236 = arith.constant 1 : i32
        %add3A_237 = arith.addi %scan3A_123, %add3A_236 : i32
        %select_n3A_238 = arith.select %and3A_235, %add3A_237, %scan3A_123 : i32
        %add3A_239 = arith.constant 704 : i32
        %add3A_240 = arith.addi %add3A_130, %add3A_239 : i32
        %add3A_241 = arith.constant 704 : i32
        %add3A_242 = arith.addi %add3A_139, %add3A_241 : i32
        %ne3A_243 = arith.cmpi ne, %add3A_240, %add3A_242 : i32
        %or3A_244 = arith.constant false
        %or3A_245 = arith.ori %or3A_244, %ne3A_243 : i1
        %or3A_246 = arith.constant false
        %or3A_247 = arith.ori %or3A_245, %or3A_246 : i1
        %not3A_248 = arith.constant true
        %not3A_249 = arith.xori %eq3A_127, %not3A_248 : i1
        %and3A_250 = arith.andi %or3A_247, %not3A_249 : i1
        %convert_element_type3A_251 = arith.extui %and3A_250 : i1 to i32
        %cond3A_252 = arith.constant 0 : i32
        %cond3A_253 = arith.cmpi ne, %convert_element_type3A_251, %cond3A_252 : i32
        scf.if %cond3A_253 {
        } else {
        }
        %and3A_254 = arith.constant false
        %and3A_255 = arith.andi %and3A_250, %and3A_254 : i1
        %ne3A_256 = arith.cmpi ne, %add3A_130, %add3A_139 : i32
        %or3A_257 = arith.constant false
        %or3A_258 = arith.ori %or3A_257, %ne3A_256 : i1
        %not3A_259 = arith.constant true
        %not3A_260 = arith.xori %eq3A_127, %not3A_259 : i1
        %and3A_261 = arith.andi %or3A_258, %not3A_260 : i1
        %convert_element_type3A_262 = arith.extui %and3A_261 : i1 to i32
        %cond3A_263 = arith.constant 0 : i32
        %cond3A_264 = arith.cmpi ne, %convert_element_type3A_262, %cond3A_263 : i32
        scf.if %cond3A_264 {
          "tpu.trace_start"() <{level = 10 : i32, message = "ep_wait_out"}> : () -> ()
          %rem3A_291 = arith.constant 2 : i32
          %rem3A_292 = arith.remui %scan3A_124, %rem3A_291 : i32
          %mul3A_293 = arith.constant 32 : i32
          %mul3A_294 = arith.muli %mul3A_293, %add3A_139 : i32
          %mul3A_295 = arith.constant 32 : i32
          %mul3A_296 = arith.muli %rem3A_292, %mul3A_295 : i32
          %add3A_297 = arith.constant 0 : i32
          %add3A_298 = arith.addi %mul3A_296, %add3A_297 : i32
          %dma_wait3A_299 = tpu.memref_slice %run_scoped3A_9[%add3A_298] : memref<64xf32, #tpu.memory_space<vmem>> -> memref<32xf32, #tpu.memory_space<vmem>>
          %dma_wait3A_300 = tpu.memref_slice %arg5[%mul3A_294] : memref<10240xf32, #tpu.memory_space<hbm>> -> memref<32xf32, #tpu.memory_space<hbm>>
          %dma_wait3A_301 = tpu.memref_slice %run_scoped3A_10[%rem3A_292] : memref<2x!tpu.dma_semaphore, #tpu.memory_space<semaphore_mem>> -> memref<1x!tpu.dma_semaphore, #tpu.memory_space<semaphore_mem>>
          %dma_wait3A_302 = tpu.memref_squeeze %dma_wait3A_301 : memref<1x!tpu.dma_semaphore, #tpu.memory_space<semaphore_mem>> -> memref<!tpu.dma_semaphore, #tpu.memory_space<semaphore_mem>>
          %dma_wait3A_303 = tpu.memref_slice %arg5[%mul3A_294] : memref<10240xf32, #tpu.memory_space<hbm>> -> memref<32xf32, #tpu.memory_space<hbm>>
          %dma_wait3A_304 = tpu.memref_slice %run_scoped3A_9[%add3A_298] : memref<64xf32, #tpu.memory_space<vmem>> -> memref<32xf32, #tpu.memory_space<vmem>>
          tpu.wait_dma2 semaphore(%dma_wait3A_302 : memref<!tpu.dma_semaphore, #tpu.memory_space<semaphore_mem>>) src(%dma_wait3A_304 : memref<32xf32, #tpu.memory_space<vmem>>) dst(%dma_wait3A_303 : memref<32xf32, #tpu.memory_space<hbm>>)
          "tpu.trace_stop"() : () -> ()
        } else {
        }
        %and3A_265 = arith.constant true
        %and3A_266 = arith.andi %and3A_261, %and3A_265 : i1
        %add3A_267 = arith.constant 1 : i32
        %add3A_268 = arith.addi %scan3A_124, %add3A_267 : i32
        %select_n3A_269 = arith.select %and3A_266, %add3A_268, %scan3A_124 : i32
        %add3A_270 = arith.constant 704 : i32
        %add3A_271 = arith.addi %add3A_130, %add3A_270 : i32
        %add3A_272 = arith.constant 704 : i32
        %add3A_273 = arith.addi %add3A_148, %add3A_272 : i32
        %ne3A_274 = arith.cmpi ne, %add3A_271, %add3A_273 : i32
        %or3A_275 = arith.constant false
        %or3A_276 = arith.ori %or3A_275, %ne3A_274 : i1
        %or3A_277 = arith.constant false
        %or3A_278 = arith.ori %or3A_276, %or3A_277 : i1
        %or3A_279 = arith.ori %or3A_278, %eq3A_129 : i1
        %add3A_280 = arith.constant 1 : i32
        %add3A_281 = arith.addi %scan3A_122, %add3A_280 : i32
        %select_n3A_282 = arith.select %or3A_279, %add3A_281, %scan3A_122 : i32
        %add3A_283 = arith.constant 1 : i32
        %add3A_284 = arith.addi %scan3A_125, %add3A_283 : i32
        %select_n3A_285 = arith.constant true
        %select_n3A_286 = arith.select %select_n3A_285, %add3A_284, %scan3A_125 : i32
        %eq3A_287 = arith.constant 10 : i32
        %eq3A_288 = arith.cmpi eq, %select_n3A_286, %eq3A_287 : i32
        %select_n3A_289 = arith.constant 0 : i32
        %select_n3A_290 = arith.select %eq3A_288, %select_n3A_289, %select_n3A_286 : i32
        scf.yield %select_n3A_172, %select_n3A_282, %select_n3A_238, %select_n3A_269, %select_n3A_290 : i32, i32, i32, i32, i32
      }
      %scan3A_71 = arith.constant 10 : i32
      %sub3A = arith.constant 1 : i32
      %sub3A_72 = arith.subi %scan3A_70#4, %sub3A : i32
      %select_n3A_73 = arith.constant true
      %select_n3A_74 = arith.select %select_n3A_73, %sub3A_72, %scan3A_70#4 : i32
      %eq3A_75 = arith.constant -1 : i32
      %eq3A_76 = arith.cmpi eq, %select_n3A_74, %eq3A_75 : i32
      %select_n3A_77 = arith.constant 9 : i32
      %select_n3A_78 = arith.select %eq3A_76, %select_n3A_77, %select_n3A_74 : i32
      %add3A_79 = arith.addi %select_n3A_78, %mul3A_7 : i32
      %sub3A_80 = arith.constant 1 : i32
      %sub3A_81 = arith.subi %select_n3A_78, %sub3A_80 : i32
      %select_n3A_82 = arith.constant true
      %select_n3A_83 = arith.select %select_n3A_82, %sub3A_81, %select_n3A_78 : i32
      %eq3A_84 = arith.constant -1 : i32
      %eq3A_85 = arith.cmpi eq, %select_n3A_83, %eq3A_84 : i32
      %select_n3A_86 = arith.constant 9 : i32
      %select_n3A_87 = arith.select %eq3A_85, %select_n3A_86, %select_n3A_83 : i32
      %add3A_88 = arith.addi %select_n3A_87, %mul3A_7 : i32
      %add3A_89 = arith.constant 1 : i32
      %add3A_90 = arith.addi %select_n3A_78, %add3A_89 : i32
      %select_n3A_91 = arith.constant true
      %select_n3A_92 = arith.select %select_n3A_91, %add3A_90, %select_n3A_78 : i32
      %eq3A_93 = arith.constant 10 : i32
      %eq3A_94 = arith.cmpi eq, %select_n3A_92, %eq3A_93 : i32
      %select_n3A_95 = arith.constant 0 : i32
      %select_n3A_96 = arith.select %eq3A_94, %select_n3A_95, %select_n3A_92 : i32
      %add3A_97 = arith.addi %select_n3A_96, %mul3A_7 : i32
      %add3A_98 = arith.constant 1 : i32
      %add3A_99 = arith.addi %select_n3A_96, %add3A_98 : i32
      %select_n3A_100 = arith.constant true
      %select_n3A_101 = arith.select %select_n3A_100, %add3A_99, %select_n3A_96 : i32
      %eq3A_102 = arith.constant 10 : i32
      %eq3A_103 = arith.cmpi eq, %select_n3A_101, %eq3A_102 : i32
      %select_n3A_104 = arith.constant 0 : i32
      %select_n3A_105 = arith.select %eq3A_103, %select_n3A_104, %select_n3A_101 : i32
      %add3A_106 = arith.addi %select_n3A_105, %mul3A_7 : i32
      "tpu.trace_start"() <{level = 10 : i32, message = "ep_finalize"}> : () -> ()
      %rem3A_107 = arith.constant 2 : i32
      %rem3A_108 = arith.remui %scan3A_70#3, %rem3A_107 : i32
      %mul3A_109 = arith.constant 32 : i32
      %mul3A_110 = arith.muli %mul3A_109, %add3A_79 : i32
      %mul3A_111 = arith.constant 32 : i32
      %mul3A_112 = arith.muli %rem3A_108, %mul3A_111 : i32
      %add3A_113 = arith.constant 0 : i32
      %add3A_114 = arith.addi %mul3A_112, %add3A_113 : i32
      %dma_wait3A = tpu.memref_slice %run_scoped3A_9[%add3A_114] : memref<64xf32, #tpu.memory_space<vmem>> -> memref<32xf32, #tpu.memory_space<vmem>>
      %dma_wait3A_115 = tpu.memref_slice %arg5[%mul3A_110] : memref<10240xf32, #tpu.memory_space<hbm>> -> memref<32xf32, #tpu.memory_space<hbm>>
      %dma_wait3A_116 = tpu.memref_slice %run_scoped3A_10[%rem3A_108] : memref<2x!tpu.dma_semaphore, #tpu.memory_space<semaphore_mem>> -> memref<1x!tpu.dma_semaphore, #tpu.memory_space<semaphore_mem>>
      %dma_wait3A_117 = tpu.memref_squeeze %dma_wait3A_116 : memref<1x!tpu.dma_semaphore, #tpu.memory_space<semaphore_mem>> -> memref<!tpu.dma_semaphore, #tpu.memory_space<semaphore_mem>>
      %dma_wait3A_118 = tpu.memref_slice %arg5[%mul3A_110] : memref<10240xf32, #tpu.memory_space<hbm>> -> memref<32xf32, #tpu.memory_space<hbm>>
      %dma_wait3A_119 = tpu.memref_slice %run_scoped3A_9[%add3A_114] : memref<64xf32, #tpu.memory_space<vmem>> -> memref<32xf32, #tpu.memory_space<vmem>>
      tpu.wait_dma2 semaphore(%dma_wait3A_117 : memref<!tpu.dma_semaphore, #tpu.memory_space<semaphore_mem>>) src(%dma_wait3A_119 : memref<32xf32, #tpu.memory_space<vmem>>) dst(%dma_wait3A_118 : memref<32xf32, #tpu.memory_space<hbm>>)
      "tpu.trace_stop"() : () -> ()
      tpu.yield
    }) : () -> ()
    return
  }
}

module attributes {stable_mosaic.version = 14 : i64} {
  func.func @_tc_body(%arg0: i32, %arg1: memref<2048x768xf32, #tpu.memory_space<vmem>>, %arg2: memref<1x768xf32, #tpu.memory_space<vmem>>, %arg3: memref<1xf32, #tpu.memory_space<smem>>, %arg4: memref<2048xf32, #tpu.memory_space<vmem>>) attributes {dimension_semantics = [#tpu.dimension_semantics<arbitrary>], iteration_bounds = array<i64: 11>, scalar_prefetch = 0 : i64, scratch_operands = 0 : i64, tpu.core_type = #tpu.core_type<tc>, window_params = [{transform_indices = @transform_0, window_bounds = array<i64: 2048, 768>}, {pipeline_mode = #tpu.pipeline_mode<synchronous>, transform_indices = @transform_1, window_bounds = array<i64: 1, 768>}, {transform_indices = @transform_2, window_bounds = array<i64: 1>}, {transform_indices = @transform_3, window_bounds = array<i64: 2048>}]} {
    %get3A = arith.constant 0 : index
    %get3A_0 = arith.constant 0 : index
    %get3A_1 = vector.load %arg1[%get3A, %get3A_0] : memref<2048x768xf32, #tpu.memory_space<vmem>>, vector<2048x768xf32>
    %get3A_2 = arith.constant 0 : index
    %get3A_3 = arith.constant 0 : index
    %get3A_4 = vector.load %arg2[%get3A_2, %get3A_3] : memref<1x768xf32, #tpu.memory_space<vmem>>, vector<1x768xf32>
    %mul3A = vector.broadcast %get3A_4 : vector<1x768xf32> to vector<2048x768xf32>
    %mul3A_5 = arith.mulf %get3A_1, %mul3A : vector<2048x768xf32>
    %reduce_sum3A = arith.constant dense<0.000000e+00> : vector<2048xf32>
    %reduce_sum3A_6 = vector.multi_reduction <add>, %mul3A_5, %reduce_sum3A [1] : vector<2048x768xf32> to vector<2048xf32>
    %get3A_7 = arith.constant 0 : index
    %get3A_8 = memref.load %arg3[%get3A_7] : memref<1xf32, #tpu.memory_space<smem>>
    %add3A = vector.broadcast %get3A_8 : f32 to vector<2048xf32>
    %add3A_9 = arith.addf %reduce_sum3A_6, %add3A : vector<2048xf32>
    %swap3A = arith.constant 0 : index
    %swap3A_10 = vector.load %arg4[%swap3A] : memref<2048xf32, #tpu.memory_space<vmem>>, vector<2048xf32>
    tpu.vector_store %arg4[%swap3A], %add3A_9 {strides = array<i32>} : memref<2048xf32, #tpu.memory_space<vmem>>, vector<2048xf32>,
    return
  }
  func.func @transform_0(%arg0: i32) -> (i32, i32) {
    %c0_i32 = arith.constant 0 : i32
    %c0_i32_0 = arith.constant 0 : i32
    return %arg0, %c0_i32 : i32, i32
  }
  func.func @transform_1(%arg0: i32) -> (i32, i32) {
    %c0_i32 = arith.constant 0 : i32
    %c0_i32_0 = arith.constant 0 : i32
    %c0_i32_1 = arith.constant 0 : i32
    return %c0_i32, %c0_i32_0 : i32, i32
  }
  func.func @transform_2(%arg0: i32) -> i32 {
    %c0_i32 = arith.constant 0 : i32
    %c0_i32_0 = arith.constant 0 : i32
    return %c0_i32 : i32
  }
  func.func @transform_3(%arg0: i32) -> i32 {
    %c0_i32 = arith.constant 0 : i32
    return %arg0 : i32
  }
}

</mosaic_0001>

<sc_bundles>
// kernel: kernel.4.cloned.1.call-start
scs
__scs_entry_jumppad:
0x0: {  	(pc) =	sbr.rel $0x88, $3  }
0x1: {  	(tag) =	ssettag $0x0;
	lr =	simm.s32 $0x1  }
0x2: {  	[smem:$0x3F9E] =	sst lr;
	_ =	strace $0xD0000000  }
0x3: {  	_ = 	snop  }
0x4: {  	_ = 	snop  }
0x5: {  	_ = 	snop  }
0x6: {  	_ = 	snop  }
0x7: {  	_ = 	snop  }
__scs_overlays_trampoline_lowered:
0x8: {  	[smem:$0x3FAD] =	sst s0  }
0x9: {  	[smem:$0x3FAE] =	sst s1  }
0xa: {  	[smem:$0x3FAF] =	sst s2  }
0xb: {  	[smem:$0x3FB0] =	sst s3  }
0xc: {  	[smem:$0x3FB1] =	sst s4  }
0xd: {  	[smem:$0x3FB2] =	sst s5  }
0xe: {  	[smem:$0x3FB3] =	sst s6  }
0xf: {  	[smem:$0x3FB4] =	sst s7  }
0x10: {  	[smem:$0x3FB5] =	sst s8  }
0x11: {  	[smem:$0x3FB6] =	sst s9;
	s0 =	simm.s32 @!p0 $0x0  }
0x12: {  	s1 =	sld [smem:$0x3F9C];
	s0 =	simm.s32 @p0 $0x1  }
0x13: {  	[smem:$0x3FB7] =	sst s0;
	s0 =	simm.s32 @!p1 $0x0  }
0x14: {  	s2 =	sld [smem:$0x3F9B];
	s0 =	simm.s32 @p1 $0x1  }
0x15: {  	[smem:$0x3FB8] =	sst s0;
	s0 =	simm.s32 @!p2 $0x0  }
0x16: {  	s3 =	sld [smem:$0x3FDB];
	s0 =	simm.s32 @p2 $0x1  }
0x17: {  	s4 =	simm.s32 $0x1BF5;
	[smem:$0x3FBA] =	sst s0  }
0x18: {  	s0 =	sld [smem:$0x3F9D];
	_ =	swait.ge [sflag:s4], $0x0  }
0x19: {  	s7 =	sld [smem:$0x3F9E]  }
0x1a: {  	s8 =	sadd.s32 $0xFFFFE003, lr  }
0x1b: {  	s9 =	sadd.s32 $0xFFFFFEF7, lr;
	s5 =	simm.s32 $0xFFFFFFFF;
	p2 =	slt.u32 s8, $0xFFFFF086  }
0x1c: {  	p1 =	slt.u32 s9, $0xF7A;
	s5 =	simm.s32 @!p2 $0x0  }
0x1d: {  	s5 =	simm.s32 @p1 $0x1;
	p0 =	seq.s32 s7, s2  }
0x1e: {  	s7 =	smul.u32 @!p0 $0xF7A, s2;
	p2 =	seq.s32 @!p0 s5, $0x0  }
0x1f: {  	s9 =	smul.u32 $0xF7A, s1;
	s8 =	simm.s32 @!p0 $0x1BF5;
	p2 =	por !p2, p0  }
0x20: {  	[sflag:s8] =	ssyncset.s32 @!p0 $0xFFFFF086;
	s6 =	sadd.s32 @!p0 s3, s7;
	s7 =	simm.s32 @!p0 $0x108  }
0x21: {  	s3 =	sadd.s32 s3, s9;
	s6 =	sadd.s32 @!p0 $0x88, s6;
	s7 =	simm.s32 @p2 $0x1082  }
0x22: {  	[simem:s7], [sflag:s8] =	dma.local @!p0 [hbm:s6], $0xF7A  }
0x23: {  	s9 =	sor.u32 $0xD0000000, s2;
	s6 =	simm.s32 $0x108;
	_ =	swait.ge @!p0 [sflag:s8], $0x0  }
0x24: {  	s3 =	sadd.s32 $0x88, s3;
	s6 =	simm.s32 @!p1 $0x1082;
	[sflag:s4] =	ssyncset.s32 $0xFFFFF086  }
0x25: {  	[simem:s6], [sflag:s4] =	dma.local [hbm:s3], $0xF7A  }
0x26: {  	[smem:$0x3F9E] =	sst s1;
	(tag) =	ssettag s2;
	_ =	strace s9  }
0x27: {  	s1 =	sld [smem:$0x3FAE]  }
0x28: {  	s2 =	sld [smem:$0x3FAF]  }
0x29: {  	s4 =	sld [smem:$0x3FB1]  }
0x2a: {  	p0 =	seq.s32 s5, $0x0;
	s5 =	sld [smem:$0x3FB2]  }
0x2b: {  	s6 =	sld [smem:$0x3FB3]  }
0x2c: {  	s7 =	sld [smem:$0x3FB4]  }
0x2d: {  	s3 =	simm.s32 $0x108;
	s8 =	sld [smem:$0x3FB5]  }
0x2e: {  	s3 =	simm.s32 @!p0 $0x1082;
	s9 =	sld [smem:$0x3FB6]  }
0x2f: {  	lr =	sadd.s32 s0, s3;
	s0 =	sld [smem:$0x3FAD]  }
0x30: {  	s3 =	sld [smem:$0x3FB0]  }
0x31: {  	[smem:$0x3FB9] =	sst s10  }
0x32: {  	s10 =	sld [smem:$0x3FB7];
	_ =	sdelay $0x3  }
0x33: {  	p0 =	seq.s32 s10, $0x1;
	s10 =	sld [smem:$0x3FB9];
	_ =	sdelay $0x3  }
0x34: {  	[smem:$0x3FB9] =	sst s10  }
0x35: {  	s10 =	sld [smem:$0x3FB8];
	_ =	sdelay $0x3  }
0x36: {  	p1 =	seq.s32 s10, $0x1;
	s10 =	sld [smem:$0x3FB9];
	_ =	sdelay $0x3  }
0x37: {  	[smem:$0x3FB9] =	sst s10  }
0x38: {  	s10 =	sld [smem:$0x3FBA]  }
0x39: {  	_ = 	snop;
	(pc) =	sbr.ind lr, $3  }
0x3a: {  	_ = 	snop  }
0x3b: {  	_ = 	snop  }
0x3c: {  	p2 =	seq.s32 s10, $0x1;
	s10 =	sld [smem:$0x3FB9]  }
0x3d: {  	_ =	shalt  }
0x3e: {  	_ =	shalt  }
0x3f: {  	_ =	shalt  }
0x40: {  	_ =	shalt  }
0x41: {  	_ =	shalt  }
0x42: {  	_ =	shalt  }
0x43: {  	_ =	shalt  }
0x44: {  	_ =	shalt  }
0x45: {  	_ =	shalt  }
0x46: {  	_ =	shalt  }
0x47: {  	_ =	shalt  }
0x48: {  	_ =	shalt  }
0x49: {  	_ =	shalt  }
0x4a: {  	_ =	shalt  }
0x4b: {  	_ =	shalt  }
0x4c: {  	_ =	shalt  }
0x4d: {  	_ =	shalt  }
0x4e: {  	_ =	shalt  }
0x4f: {  	_ =	shalt  }
0x50: {  	_ =	shalt  }
0x51: {  	_ =	shalt  }
0x52: {  	_ =	shalt  }
0x53: {  	_ =	shalt  }
0x54: {  	_ =	shalt  }
0x55: {  	_ =	shalt  }
0x56: {  	_ =	shalt  }
0x57: {  	_ =	shalt  }
0x58: {  	_ =	shalt  }
0x59: {  	_ =	shalt  }
0x5a: {  	_ =	shalt  }
0x5b: {  	_ =	shalt  }
0x5c: {  	_ =	shalt  }
0x5d: {  	_ =	shalt  }
0x5e: {  	_ =	shalt  }
0x5f: {  	_ =	shalt  }
0x60: {  	_ =	shalt  }
0x61: {  	_ =	shalt  }
0x62: {  	_ =	shalt  }
0x63: {  	_ =	shalt  }
0x64: {  	_ =	shalt  }
0x65: {  	_ =	shalt  }
0x66: {  	_ =	shalt  }
0x67: {  	_ =	shalt  }
0x68: {  	_ =	shalt  }
0x69: {  	_ =	shalt  }
0x6a: {  	_ =	shalt  }
0x6b: {  	_ =	shalt  }
0x6c: {  	_ =	shalt  }
0x6d: {  	_ =	shalt  }
0x6e: {  	_ =	shalt  }
0x6f: {  	_ =	shalt  }
0x70: {  	_ =	shalt  }
0x71: {  	_ =	shalt  }
0x72: {  	_ =	shalt  }
0x73: {  	_ =	shalt  }
0x74: {  	_ =	shalt  }
0x75: {  	_ =	shalt  }
0x76: {  	_ =	shalt  }
0x77: {  	_ =	shalt  }
0x78: {  	_ =	shalt  }
0x79: {  	_ =	shalt  }
0x7a: {  	_ =	shalt  }
0x7b: {  	_ =	shalt  }
0x7c: {  	_ =	shalt  }
0x7d: {  	_ =	shalt  }
0x7e: {  	_ =	shalt  }
0x7f: {  	_ =	shalt  }
0x80: {  	_ =	shalt  }
0x81: {  	_ =	shalt  }
0x82: {  	_ =	shalt  }
0x83: {  	_ =	shalt  }
0x84: {  	_ =	shalt  }
0x85: {  	_ =	shalt  }
0x86: {  	_ =	shalt  }
0x87: {  	_ =	shalt  }
.Lfunc_end0:
.L_simem_size_0:
called_computation_lowered:
.L_overlay_start_0:
0x88: {  	s2 =	sld [smem:$0x3FD9]  }
0x89: {  	s3 =	sld [smem:$0x3FFE];
	_ =	sdelay $0x1  }
0x8a: {  	s1 =	srdreg.scid  }
0x8b: {  	s0 =	sand.u32 $0x1, s1  }
0x8c: {  	s17 =	sshll.u32 s0, $0xA;
	s2 =	sadd.s32 s3, s2  }
0x8d: {  	s2 =	sadd.s32 s2, s17  }
0x8e: {  	[smem:$0x3FC5] =	sst s2  }
0x8f: {  	_ = 	snop  }
0x90: {  	s2 =	sld [smem:$0x3FC9]  }
0x91: {  	s18 =	sld [smem:$0x3FD0];
	(tm) =	ssettm $0x1  }
0x92: {  	s4 =	sld [smem:$0x3FFB];
	_ =	sdelay $0x3  }
0x93: {  	_ =	strace s4  }
0x94: {  	s4 =	sld [smem:$0x3FFC];
	_ =	sdelay $0x3  }
0x95: {  	_ =	strace s4  }
0x96: {  	s4 =	sld [smem:$0x3FFD];
	_ =	sdelay $0x3  }
0x97: {  	_ =	strace s4  }
0x98: {  	_ =	strace $0x8FFFFFFF  }
0x99: {  	s19 =	sld [smem:$0x3FDB];
	_ =	sdelay $0x1  }
0x9a: {  	s5 =	simm.s32 $_scs_section_size  }
0x9b: {  	s6 =	simm.s32 $_size__tile_overlayer_lowered;
	s7 =	simm.s32 $_tile_overlayer_lowered  }
0x9c: {  	s22 =	simm.s32 $0x1BFF;
	s21 =	sshll.u32 s7, $0x1;
	s4 =	sadd.s32 s5, s19  }
0x9d: {  	s8 =	simm.s32 $0x0;
	s20 =	sshll.u32 s6, $0x1;
	s6 =	sadd.s32 s21, s4  }
0x9e: {  	[timem:s8], [sflag:s22] =	dma.local [hbm:s6], s20  }
0x9f: {  	_ =	swait.ge [sflag:s22], s20  }
0xa0: {  	s5 =	ssub.s32 $0x0, s20;
	[sflag:s22] =	ssyncset.done $0x0  }
0xa1: {  	[sflag:s22] =	ssyncadd.s32 s5;
	_ =	sdelay $0x1  }
0xa2: {  	s23 =	simm.s32 $0x1B8B  }
0xa3: {  	_ =	swait.ge [sflag:s23], $0x1  }
0xa4: {  	[sflag:s23] =	ssyncset.done $0x0  }
0xa5: {  	s25 =	simm.s32 $0x1B8E;
	s24 =	sld [smem:$0x3FFE];
	[sflag:s23] =	ssyncadd.s32 $0xFFFFFFFF  }
0xa6: {  	s26 =	simm.s32 $execute0_lowered;
	[smem:$0x3FD2] =	sst s25  }
0xa7: {  	s6 =	sshll.u32 s26, $0x1;
	_ =	strace $0x80000046;
	[dreg:$0x1] =	wrdreg $0xFFFFFFFF  }
0xa8: {  	s28 =	simm.s32 $_size_execute0_lowered;
	s4 =	sadd.s32 s4, s6;
	[dreg:$0x0] =	wrdreg $0x0  }
0xa9: {  	s6 =	sshll.u32 s28, $0x1;
	[dreg:$0x2] =	wrdreg s4  }
0xaa: {  	[dreg:$0x3] =	wrdreg s6  }
0xab: {  	[dreg:$0x4] =	wrdreg $0xC0  }
0xac: {  	_ =	task [dreg:s8], $0x5FFFF  }
0xad: {  	[dreg:$0x1] =	wrdreg $0xFFFFFFFF  }
0xae: {  	[dreg:$0x0] =	wrdreg $0x60  }
0xaf: {  	[dreg:$0x2] =	wrdreg s2  }
0xb0: {  	[dreg:$0x3] =	wrdreg s24  }
0xb1: {  	[dreg:$0x4] =	wrdreg s18  }
0xb2: {  	[dreg:$0x5] =	wrdreg $0x9  }
0xb3: {  	_ =	task.clear_ibuf [dreg:s8], $0x6FFFF;
	_ =	strace $0x90000046  }
0xb4: {  	s29 =	simm.s32 $0x9;
	_ =	strace $0x8000004F  }
0xb5: {  	_ =	swait.ge [sflag:s29], $0x1  }
0xb6: {  	[sflag:s29] =	ssyncadd.s32 $0xFFFFFFFF  }
0xb7: {  	_ =	strace $0x9000004F  }
0xb8: {  	_ =	sfence  }
0xb9: {  	s30 =	sld [smem:$0x0];
	_ =	sdelay $0x2  }
0xba: {  	s31 =	sshll.u32 s1, $0xD;
	s1 =	sshrl.u32 s1, $0x2  }
0xbb: {  	s3 =	sand.u32 $0x4000, s31;
	s1 =	sadd.s32 s1, s30  }
0xbc: {  	s0 =	sor.u32 s3, s0;
	s1 =	sshll.u32 s1, $0x11  }
0xbd: {  	s0 =	sor.u32 s1, s0  }
0xbe: {  	s0 =	sadd.s32 $0x8F2B, s0  }
0xbf: {  	[sflag:s0] =	ssyncadd.remote.s32 $0x1  }
0xc0: {  	_ =	sfence.sel $0xFFFF  }
0xc1: {  	[dreg:$0x0] =	wrdreg $0xFFFFFFFF;
	(pc) =	sbr.abs _section_cstart, $3  }
0xc2: {  	[dreg:$0x1] =	wrdreg $0xFFFFFFFF  }
0xc3: {  	_ =	task.clear_ibuf [dreg:s8], $0x2FFFF;
	_ =	strace $0x9FFFFFFF  }
0xc4: {  	(tm) =	ssettm $0x7FFFFFFF  }
0xc5: {  	_ =	shalt  }
tec
execute0_lowered:
.L_overlay_start_1:
0x0: {  	(tag) =	ssettag $0x1  }
0x1: {  	s0 =	srdreg.scid  }
0x2: {  	s0 =	sand.u32 $0x1, s0  }
0x3: {  	s3 =	stileid.u32;
	s2 =	rddreg [dreg:$0x0];
	s1 =	sshll.u32 s0, $0x4  }
0x4: {  	s6 =	rddreg [dreg:$0x1];
	s1 =	sor.u32 s3, s1  }
0x5: {  	s4 =	simm.s32 $0x0;
	s12 =	simm.s32 $0x1;
	s5 =	smul.u32 $0x140, s1  }
0x6: {  	s13 =	simm.s32 $0x5;
	s14 =	simm.s32 $0x0;
	s25 =	simm.s32 $0x0  }
0x7: {  	vm0 =	vmmov $0x1;
	vm1 =	vmmov $0x3;
	vm2 =	vmmov $0x7;
	[smem:$0x7FF] =	sst s4;
	s31 =	sadd.s32 $0x400, s6;
	s5 =	sshrl.u32 s5, $0x3  }
0x8: {  	vm3 =	vmmov $0xf;
	vm4 =	vmmov $0x1f;
	vm5 =	vmmov $0x3f;
	s6 =	sadd.s32 $0x200, s6;
	s0 =	ssub.s32 $0x2, s0;
	s7 =	smul.u32 $0x300, s5  }
0x9: {  	vm6 =	vmmov $0x7f;
	vm7 =	vmmov $0xff;
	vm8 =	vmmov $0x1ff;
	s3 =	rddreg [dreg:$0x2];
	_ =	strace $0x80000047;
	s8 =	sshrl.u32 s0, $0x1  }
0xa: {  	vm9 =	vmmov $0x3ff;
	vm10 =	vmmov $0x7ff;
	vm11 =	vmmov $0xfff;
	[dreg:$0x4] =	wrdreg s31;
	s0 =	ssub.s32 s0, s8;
	s9 =	sadd.s32 s2, s7  }
0xb: {  	vm12 =	vmmov $0x1fff;
	vm13 =	vmmov $0x3fff;
	vm14 =	vmmov $0x7fff;
	s7 =	smul.u32 $0xA, s1;
	s8 =	sadd.s32 $0x210000, s9;
	s9 =	smax.u32 s0, $0x1  }
.LBB2_1:
0xc: {  	s0 =	rddreg [dreg:$0x4]  }
0xd: {  	[tilespmem:s4], [sflag:$0x1] =	stream.linear.gather [hbm4b:s0+s4], $0x300, $0x38;
	[tilespmem:$0xC400] =	vst v63  }
0xe: {  	_ =	swait.ge [sflag:s12], $0x300  }
0xf: {  	[sflag:s12] =	ssyncset.done $0x0  }
0x10: {  	s30 =	simm.s32 $0x300;
	[sflag:s12] =	ssyncadd.s32 $0xFFFFFD00  }
0x11: {  	[tilespmem:s30], [sflag:$0x1] =	stream.linear.gather [hbm4b:s6+s4], $0x80, $0x38;
	[tilespmem:$0xC400] =	vst v63  }
0x12: {  	_ =	swait.ge [sflag:s12], $0x80  }
0x13: {  	s31 =	simm.s32 $0x380;
	[sflag:s12] =	ssyncset.done $0x0  }
0x14: {  	s15 =	simm.s32 $0x0;
	s16 =	simm.s32 $0x0;
	[sflag:s12] =	ssyncadd.s32 $0xFFFFFF80  }
0x15: {  	s17 =	simm.s32 $0x0;
	s18 =	simm.s32 $0x0;
	v0 =	vld [tilespmem:$0x300];
	_ =	strace $0x80000048  }
0x16: {  	[tilespmem:s31], [sflag:$0x2] =	stream.linear.gather [hbm4b:s8+s4], $0x6000, $0x200038;
	[tilespmem:$0xC400] =	vst v63  }
0x17: {  	s19 =	simm.s32 $0x1;
	s20 =	simm.s32 $0x0;
	_ =	strace $0x90000048  }
.LBB2_2:
0x18: {  	s0 =	smov.u32 s15;
	s15 =	sadd.s32 $0x1, s15  }
0x19: {  	p0 =	seq.s32 s15, $0xA  }
0x1a: {  	s15 =	simm.s32 @p0 $0x0  }
0x1b: {  	p6 =	sne.s32 s20, $0x9;
	p1 =	sne.s32 s0, s15  }
0x1c: {  	p0 =	por !p6, !p1  }
0x1d: {  	p0 =	por !p0, !p0  }
0x1e: {  	s1 =	sadd.s32 @p0 s7, s15  }
0x1f: {  	s1 =	sshll.u32 @p0 s1, $0x5  }
0x20: {  	s10 =	sand.u32 @p0 $0x1, s19;
	s1 =	sadd.s32 @p0 $0x5800, s1  }
0x21: {  	s11 =	smul.u32 @p0 $0x18000, s10;
	s1 =	sshrl.u32 @p0 s1, $0x3  }
0x22: {  	s1 =	smul.u32 @p0 $0x300, s1  }
0x23: {  	_ =	strace @p0 $0x80000049;
	s21 =	simm.s32 @p0 $0x0;
	s11 =	sshrl.u32 @p0 s11, $0x2  }
0x24: {  	s10 =	sor.u32 @p0 $0x2, s10;
	s11 =	sor.u32 @p0 $0x380, s11;
	s1 =	sadd.s32 @p0 s2, s1  }
0x25: {  	[tilespmem:s11], [sflag:s10] =	stream.linear.gather @p0 [hbm4b:s1+s21], $0x6000, $0x200038;
	[tilespmem:$0xC400] =	vst v63  }
0x26: {  	s29 =	sand.u32 $0x1, s18;
	_ =	strace @p0 $0x90000049  }
0x27: {  	s30 =	sor.u32 $0x2, s29;
	_ =	strace $0x8000004A  }
0x28: {  	s24 =	simm.s32 $0x6380;
	_ =	swait.ge [sflag:s30], $0x6000  }
0x29: {  	p3 =	por $0x1, $0x1;
	s21 =	sand.u32 $0x1, s17;
	[sflag:s30] =	ssyncset.done $0x0  }
0x2a: {  	s26 =	simm.s32 $0x0;
	s31 =	sshll.u32 s21, $0x5;
	[sflag:s30] =	ssyncadd.s32 $0xFFFFA000  }
0x2b: {  	p2 =	seq.s32 s29, $0x1;
	s23 =	sor.u32 $0xC380, s31;
	_ =	strace $0x9000004A  }
0x2c: {  	s22 =	sadd.s32 s7, s0;
	s24 =	simm.s32 @!p2 $0x380;
	v1 =	vmov s23;
	_ =	strace $0x8000004B  }
.LBB2_3:
0x2d: {  	s0 =	smul.u32 $0xC000, s26;
	_ =	sdelay $0x1  }
0x2e: {  	s0 =	sshra.s32 s0, $0x2  }
0x2f: {  	s11 =	sand.u32 $0x1C00, s25;
	s28 =	sadd.s32 s0, s24  }
0x30: {  	s1 =	sand.u32 $0x70, s25;
	s10 =	sadd.s32 s11, s28  }
0x31: {  	v3 =	vld [tilespmem:s25+$0x0];
	s30 =	sadd.s32 s1, s10  }
0x32: {  	v2 =	vld [tilespmem:s30+$0x1B80]  }
0x33: {  	v4 =	vld [tilespmem:s30+$0x0]  }
0x34: {  	v5 =	vld [tilespmem:s30+$0x80]  }
0x35: {  	v6 =	vld [tilespmem:s30+$0x100]  }
0x36: {  	v7 =	vld [tilespmem:s30+$0x180]  }
0x37: {  	v8 =	vld [tilespmem:s30+$0x200]  }
0x38: {  	s29 =	sadd.s32 $0x1800, s28;
	v11 =	vld [tilespmem:s30+$0x300]  }
0x39: {  	s0 =	sadd.s32 s11, s29;
	v9 =	vld [tilespmem:s30+$0x280];
	v4 =	vmul.f32 v4, v3  }
0x3a: {  	s0 =	sadd.s32 s1, s0;
	v15 =	vld [tilespmem:s30+$0x380];
	v5 =	vmul.f32 v5, v3  }
0x3b: {  	v16 =	vld [tilespmem:s0+$0x0];
	v12 =	vadd.f32 v4, v0;
	v4 =	vmul.f32 v6, v3  }
0x3c: {  	v2 =	vmul.f32 v2, v3;
	v6 =	vmul.f32 v7, v3;
	v13 =	vadd.f32 v5, v0  }
0x3d: {  	v23 =	vld [tilespmem:s30+$0x1880];
	v5 =	vmul.f32 v8, v3;
	v14 =	vadd.f32 v4, v0;
	v4 =	vmul.f32 v11, v3  }
0x3e: {  	v18 =	vmov v0;
	v17 =	vmov v0;
	v22 =	vld [tilespmem:s30+$0x1900];
	v7 =	vmul.f32 v9, v3  }
0x3f: {  	v19 =	vld [tilespmem:s30+$0x1980];
	v24 =	vmul.f32 v15, v3;
	v15 =	vmovc v0;
	v2 =	vadd.f32 v2, v0;
	v10 =	vadd.f32 v6, v0  }
0x40: {  	s31 =	simm.s32 $0x80;
	p2 =	por p3, p3;
	s10 =	simm.s32 $0x10;
	v20 =	vld [tilespmem:s30+$0x1A00];
	v25 =	vmul.f32 v16, v3;
	v16 =	vmovc v0;
	v9 =	vadd.f32 v5, v0;
	v7 =	vadd.f32 v7, v0  }
0x41: {  	s11 =	sand.u32 $0x1C00, s31;
	s1 =	simm.s32 $0x20;
	v21 =	vld [tilespmem:s30+$0x1A80];
	s0 =	simm.s32 $0x10;
	v11 =	vmovc v0;
	v8 =	vadd.f32 v4, v0;
	v6 =	vmovc v0;
	v5 =	vmov v0;
	v4 =	vmov v0  }
.LBB2_4:
0x42: {  	p3 =	sne.s32 s1, $0x2F0;
	s5 =	sand.u32 $0x70, s10;
	s10 =	sadd.s32 s11, s28;
	v18 =	vadd.f32 v24, v18;
	v23 =	vmul.f32 v23, v3;
	v24 =	vld [tilespmem:s30+$0x1B00]  }
0x43: {  	s11 =	sadd.s32 s11, s29;
	v26 =	vld [tilespmem:s0+$0x0];
	s30 =	sadd.s32 s5, s10;
	v17 =	vadd.f32 v25, v17;
	v22 =	vmul.f32 v22, v3;
	s10 =	smov.u32 s1  }
0x44: {  	s5 =	sadd.s32 s5, s11;
	v25 =	vld [tilespmem:s30+$0x1B80];
	v16 =	vadd.f32 v23, v16;
	v19 =	vmul.f32 v19, v3  }
0x45: {  	v23 =	vld [tilespmem:s30+$0x0];
	v15 =	vadd.f32 v22, v15;
	v20 =	vmul.f32 v20, v3  }
0x46: {  	v22 =	vld [tilespmem:s30+$0x80];
	v11 =	vadd.f32 v19, v11;
	v19 =	vmul.f32 v21, v3  }
0x47: {  	v21 =	vld [tilespmem:s30+$0x100];
	v6 =	vadd.f32 v20, v6;
	v20 =	vmul.f32 v24, v3  }
0x48: {  	v24 =	vld [tilespmem:s30+$0x180];
	v5 =	vadd.f32 v19, v5;
	v3 =	vmov v26  }
0x49: {  	v19 =	vld [tilespmem:s30+$0x200];
	v25 =	vmul.f32 v25, v3;
	v4 =	vadd.f32 v20, v4  }
0x4a: {  	v20 =	vmul.f32 v23, v3;
	v26 =	vld [tilespmem:s30+$0x280]  }
0x4b: {  	v22 =	vmul.f32 v22, v3;
	v27 =	vld [tilespmem:s30+$0x300];
	v2 =	vadd.f32 v25, v2  }
0x4c: {  	v12 =	vadd.f32 v20, v12;
	v20 =	vmul.f32 v21, v3;
	v21 =	vld [tilespmem:s30+$0x380]  }
0x4d: {  	v13 =	vadd.f32 v22, v13;
	v22 =	vmul.f32 v24, v3;
	v25 =	vld [tilespmem:s5+$0x0]  }
.Ltmp0:
0x4e: {  	v14 =	vadd.f32 v20, v14;
	v19 =	vmul.f32 v19, v3;
	v23 =	vld [tilespmem:s30+$0x1880];
	(pc) =	sbr.rel @p3 .LBB2_4-.Ltmp0, $4  }
0x4f: {  	v10 =	vadd.f32 v22, v10;
	v20 =	vmul.f32 v26, v3;
	v22 =	vld [tilespmem:s30+$0x1900]  }
0x50: {  	v9 =	vadd.f32 v19, v9;
	v26 =	vmul.f32 v27, v3;
	v19 =	vld [tilespmem:s30+$0x1980]  }
0x51: {  	s31 =	sadd.s32 $0x80, s31;
	v7 =	vadd.f32 v20, v7;
	v24 =	vmul.f32 v21, v3;
	v20 =	vld [tilespmem:s30+$0x1A00]  }
0x52: {  	s11 =	sand.u32 $0x1C00, s31;
	s1 =	sadd.s32 $0x10, s1;
	s0 =	sadd.s32 $0x10, s0;
	v8 =	vadd.f32 v26, v8;
	v25 =	vmul.f32 v25, v3;
	v21 =	vld [tilespmem:s30+$0x1A80]  }
0x53: {  	s1 =	sand.u32 $0x70, s10;
	s5 =	sadd.s32 s11, s28;
	v26 =	vld [tilespmem:s30+$0x1B00]  }
0x54: {  	v27 =	vld [tilespmem:s0+$0x0];
	s28 =	sadd.s32 s1, s5  }
0x55: {  	v28 =	vld [tilespmem:s28+$0x0]  }
0x56: {  	v29 =	vld [tilespmem:s28+$0x80]  }
0x57: {  	v30 =	vld [tilespmem:s28+$0x100]  }
0x58: {  	v31 =	vld [tilespmem:s28+$0x180]  }
0x59: {  	v32 =	vld [tilespmem:s28+$0x200]  }
0x5a: {  	v33 =	vld [tilespmem:s28+$0x280]  }
0x5b: {  	v18 =	vadd.f32 v24, v18;
	s30 =	sadd.s32 s11, s29;
	v49 =	vld [tilespmem:s28+$0x300];
	v28 =	vmul.f32 v28, v27  }
0x5c: {  	v23 =	vmul.f32 v23, v3;
	v17 =	vadd.f32 v25, v17;
	s1 =	sadd.s32 s1, s30;
	v51 =	vld [tilespmem:s28+$0x380];
	v48 =	vmul.f32 v29, v27  }
0x5d: {  	v22 =	vmul.f32 v22, v3;
	v53 =	vld [tilespmem:s1+$0x0];
	v50 =	vmul.f32 v30, v27;
	v12 =	vadd.f32 v28, v12  }
0x5e: {  	v55 =	vld [tilespmem:s28+$0x1880];
	v16 =	vadd.f32 v23, v16;
	v52 =	vmul.f32 v31, v27;
	v13 =	vadd.f32 v48, v13  }
0x5f: {  	v59 =	vld [tilespmem:s28+$0x1980];
	v19 =	vmul.f32 v19, v3;
	v54 =	vmul.f32 v32, v27;
	v14 =	vadd.f32 v50, v14;
	(xrf2) =	vadd.scan.msk.f32 $0xffff, v12  }
0x60: {  	v57 =	vld [tilespmem:s28+$0x1900];
	v20 =	vmul.f32 v20, v3;
	v56 =	vmul.f32 v33, v27;
	v10 =	vadd.f32 v52, v10;
	(xrf2) =	vadd.scan.msk.f32 $0xffff, v13  }
0x61: {  	v63 =	vld [tilespmem:s28+$0x1A80];
	v15 =	vadd.f32 v22, v15;
	v58 =	vmul.f32 v49, v27;
	v9 =	vadd.f32 v54, v9;
	(xrf2) =	vadd.scan.msk.f32 $0xffff, v14  }
0x62: {  	v61 =	vld [tilespmem:s28+$0x1A00];
	v6 =	vadd.f32 v20, v6;
	v60 =	vmul.f32 v51, v27;
	v7 =	vadd.f32 v56, v7;
	(xrf2) =	vadd.scan.msk.f32 $0xffff, v10  }
0x63: {  	v62 =	vmul.f32 v53, v27;
	v30 =	vld [tilespmem:s28+$0x1B00];
	v31 =	vmul.f32 v21, v3;
	v8 =	vadd.f32 v58, v8;
	(xrf2) =	vadd.scan.msk.f32 $0xffff, v9  }
0x64: {  	v33 =	vmul.f32 v59, v27;
	v29 =	vadd.f32 v60, v18;
	v12 =	vmul.f32 v55, v27;
	(xrf2) =	vadd.scan.msk.f32 $0xffff, v7  }
0x65: {  	v34 =	vld [tilespmem:s28+$0x1B80];
	v3 =	vmul.f32 v26, v3;
	v17 =	vadd.f32 v62, v17;
	v13 =	vmul.f32 v57, v27;
	(xrf2) =	vadd.scan.msk.f32 $0xffff, v8  }
0x66: {  	v36 =	vmul.f32 v63, v27;
	v28 =	vadd.f32 v19, v11;
	v32 =	vadd.f32 v12, v16;
	(xrf2) =	vadd.scan.msk.f32 $0xffff, v29  }
0x67: {  	v5 =	vadd.f32 v31, v5;
	v13 =	vadd.f32 v13, v15;
	v10 =	vmul.f32 v61, v27;
	(xrf2) =	vadd.scan.msk.f32 $0xffff, v17  }
0x68: {  	v3 =	vadd.f32 v3, v4;
	v35 =	vadd.f32 v33, v28;
	v38 =	vmul.f32 v30, v27;
	(xrf2) =	vadd.scan.msk.f32 $0xffff, v32  }
0x69: {  	v37 =	vadd.f32 v10, v6;
	v39, _, _ =	vpop (xrf2);
	(xrf2) =	vadd.scan.msk.f32 $0xffff, v13  }
0x6a: {  	v44 =	vmul.f32 v34, v27;
	v5 =	vadd.f32 v36, v5;
	v3 =	vadd.f32 v38, v3;
	v40, _, _ =	vpop (xrf2);
	(xrf2) =	vadd.scan.msk.f32 $0xffff, v35  }
0x6b: {  	v41 =	vbroadcast v39, $0xF;
	v42 =	vbroadcast v40, $0xF;
	v43, _, _ =	vpop (xrf2);
	(xrf2) =	vadd.scan.msk.f32 $0xffff, v37  }
0x6c: {  	v8 =	vbroadcast v43, $0xF;
	v45, _, _ =	vpop (xrf2);
	(xrf2) =	vadd.scan.msk.f32 $0xffff, v5  }
0x6d: {  	v2 =	vadd.f32 v44, v2;
	v46 =	vsel vm0, v41, v42;
	v47 =	vbroadcast v45, $0xF;
	v48, _, _ =	vpop (xrf2);
	(xrf2) =	vadd.scan.msk.f32 $0xffff, v3  }
0x6e: {  	v3, _, _ =	vpop (xrf2);
	v49 =	vsel vm1, v46, v8;
	v50 =	vbroadcast v48, $0xF  }
0x6f: {  	v51, _, _ =	vpop (xrf2);
	v4 =	vsel vm2, v49, v47;
	v3 =	vbroadcast v3, $0xF  }
0x70: {  	v4 =	vsel vm3, v4, v50;
	v52 =	vbroadcast v51, $0xF;
	v53, _, _ =	vpop (xrf2)  }
0x71: {  	(xrf2) =	vadd.scan.msk.f32 $0xffff, v2;
	v2, _, _ =	vpop (xrf2);
	v3 =	vsel vm4, v4, v3;
	v54 =	vbroadcast v53, $0xF  }
0x72: {  	v55, _, _ =	vpop (xrf2);
	v3 =	vsel vm5, v3, v52;
	v2 =	vbroadcast v2, $0xF  }
0x73: {  	v56, _, _ =	vpop (xrf2);
	v3 =	vsel vm6, v3, v54;
	v57 =	vbroadcast v55, $0xF  }
0x74: {  	v58, _, _ =	vpop (xrf2);
	v2 =	vsel vm7, v3, v2;
	v3 =	vbroadcast v56, $0xF  }
0x75: {  	v59, _, _ =	vpop (xrf2);
	v2 =	vsel vm8, v2, v57;
	v60 =	vbroadcast v58, $0xF  }
0x76: {  	v61, _, _ =	vpop (xrf2);
	v2 =	vsel vm9, v2, v3;
	v3 =	vbroadcast v59, $0xF  }
0x77: {  	v62, _, _ =	vpop (xrf2);
	v2 =	vsel vm10, v2, v60  }
0x78: {  	v2 =	vsel vm11, v2, v3;
	v3 =	vbroadcast v62, $0xF  }
0x79: {  	v63 =	vbroadcast v61, $0xF  }
.Ltmp1:
0x7a: {  	_ = 	snop;
	(pc) =	sbr.rel @p2 .LBB2_3-.Ltmp1, $4  }
0x7b: {  	v2 =	vsel vm12, v2, v63  }
0x7c: {  	s31 =	sshll.u32 s26, $0x4;
	v2 =	vsel vm13, v2, v3;
	v3, _, _ =	vpop (xrf2)  }
0x7d: {  	s0 =	sand.u32 $0x3FFFFFF0, s31;
	v2 =	vsel vm14, v2, v3  }
0x7e: {  	s26 =	simm.s32 $0x1;
	p3 =	por $0x0, $0x0;
	[tilespmem:v1+s0+$0x0 ss:$0x1] =	vst.idx.msk $0xffff, v2  }
0x7f: {  	p2 =	seq.s32 s20, $0x9  }
0x80: {  	p1 =	por p2, p1  }
0x81: {  	_ =	strace $0x9000004B;
	s0 =	sshll.u32 @p1 s22, $0x2  }
0x82: {  	_ =	strace @p1 $0x8000004C;
	s0 =	sand.u32 @p1 $0x1FFFFFFC, s0  }
0x83: {  	s1 =	sor.u32 @p1 $0x4, s21;
	s5 =	simm.s32 @p1 $0x0;
	s0 =	sadd.s32 @p1 s3, s0  }
0x84: {  	[hbm4b:s0+s5] =	stream.linear.scatter @p1 [tilespmem:s23], [sflag:s1], $0x20, $0x200038;
	[tilespmem:$0xC400] =	vst v63  }
0x85: {  	s0 =	simm.s32 $0x1  }
0x86: {  	s5 =	simm.s32 $0x1;
	s0 =	simm.s32 @!p0 $0x0;
	p0 =	seq.s32 s20, $0x0  }
0x87: {  	_ =	strace @p1 $0x9000004C;
	s19 =	sadd.s32 s0, s19;
	s0 =	simm.s32 $0x1  }
0x88: {  	s0 =	simm.s32 @!p1 $0x0;
	p1 =	sne.s32 s20, $0x0;
	s20 =	sadd.s32 $0x1, s20  }
0x89: {  	s1 =	sand.u32 @!p0 $0x1, s16;
	s5 =	simm.s32 @!p1 $0x0;
	p1 =	sne.s32 s20, $0xA  }
.Ltmp2:
0x8a: {  	_ =	strace @!p0 $0x8000004D;
	s1 =	sor.u32 @!p0 $0x4, s1;
	(pc) =	sbr.rel @p1 .LBB2_2-.Ltmp2, $4  }
0x8b: {  	_ =	swait.ge @!p0 [sflag:s1], $0x20  }
0x8c: {  	[sflag:s1] =	ssyncset.done @!p0 $0x0  }
0x8d: {  	s17 =	sadd.s32 s0, s17;
	[sflag:s1] =	ssyncadd.s32 @!p0 $0xFFFFFFE0  }
0x8e: {  	s18 =	sadd.s32 s0, s18;
	s16 =	sadd.s32 s5, s16;
	_ =	strace @!p0 $0x9000004D  }
0x8f: {  	s14 =	sadd.s32 $0x1, s14  }
0x90: {  	p0 =	sne.s32 s14, s9  }
.Ltmp3:
0x91: {  	_ =	strace $0x8000004E;
	(pc) =	sbr.rel @p0 .LBB2_1-.Ltmp3, $4  }
0x92: {  	_ =	swait.ge [sflag:s13], $0x20  }
0x93: {  	[sflag:s13] =	ssyncset.done $0x0  }
0x94: {  	[sflag:s13] =	ssyncadd.s32 $0xFFFFFFE0  }
0x95: {  	_ =	strace $0x9000004E  }
0x96: {  	_ =	sfence.sel $0x180000  }
0x97: {  	[bflag:$0x0] =	sbarrier.arrive $0xFFFF  }
0x98: {  	_ =	strace $0x90000047  }
0x99: {  	s0 =	stileid.u32;
	[bflag:$0x2] =	sbarrier.arrive $0xFFFF  }
0x9a: {  	p0 =	sne.s32 s0, $0x0;
	s0 =	rddreg [dreg:$0x3]  }
0x9b: {  	s0 =	sadd.s32 @!p0 $0x100000, s0  }
0x9c: {  	[sflag:s0] =	ssyncadd.tile.s32 @!p0 $0x1;
	_ =	shalt  }
.Lfunc_end2:
_tile_overlayer_lowered:
.L_overlay_start_2:
0x9d: {  	(tag) =	ssettag $0x2  }
0x9e: {  	s0 =	rddreg [dreg:$0x0];
	s2 =	stileid.u32  }
0x9f: {  	s1 =	rddreg [dreg:$0x1];
	p0 =	sne.s32 s2, $0x0  }
0xa0: {  	s3 =	rddreg [dreg:$0x2];
	[bflag:$0x3] =	sbarrier.arrive $0xFFFF;
	s2 =	simm.s32 @!p0 $0x1C02  }
0xa1: {  	[timem:s3], [sflag:s2] =	dma.local @!p0 [hbm:s0], s1  }
0xa2: {  	s0 =	simm.s32 @!p0 $0x2  }
0xa3: {  	_ =	swait.ge @!p0 [sflag:s0], s1  }
0xa4: {  	s1 =	ssub.s32 @!p0 $0x0, s1;
	[sflag:s0] =	ssyncset.done @!p0 $0x0  }
0xa5: {  	[sflag:s0] =	ssyncadd.s32 @!p0 s1  }
0xa6: {  	[bflag:$0x3] =	sbarrier.arrive $0xFFFF  }
0xa7: {  	_ =	shalt  }

</sc_bundles>
